<compile_context>
chip_gen: v7x
topology: tpu7x:2x2x1
jax: 0.10.2.dev20260603
libtpu: 0.0.44.dev20260713+nightly
codegen_flags: <defaults>
</compile_context>

<pallas_src>
import functools

import jax
import jax.numpy as jnp
from jax import lax
from jax.experimental import pallas as pl
from jax.experimental.pallas import tpu as pltpu
from jax.experimental.pallas import tpu_sc as plsc

R = 8192
S = 512
NC = 2
NS = 16
NW = NC * NS
RAYS_PER_W = R // NW
G = 16
GROUPS = RAYS_PER_W // G
C = 128
NCH = S // C
GC = G * C
PLANE = R * C


_mesh = plsc.VectorSubcoreMesh(core_axis_name="c", subcore_axis_name="s")


@functools.partial(
    pl.kernel,
    out_type=(
        jax.ShapeDtypeStruct((NW * 16,), jnp.int32),
        jax.ShapeDtypeStruct((R,), jnp.float32),
        jax.ShapeDtypeStruct((R,), jnp.float32),
        jax.ShapeDtypeStruct((R * 3,), jnp.float32),
        jax.ShapeDtypeStruct((R * S,), jnp.float32),
    ),
    mesh=_mesh,
    compiler_params=pltpu.CompilerParams(needs_layout_passes=False),
    scratch_types=(
        pltpu.VMEM((GC,), jnp.float32),
        pltpu.VMEM((GC,), jnp.float32),
        pltpu.VMEM((GC,), jnp.float32),
        pltpu.VMEM((GC,), jnp.float32),
        pltpu.VMEM((GC,), jnp.float32),
        pltpu.VMEM((GC,), jnp.float32),
        pltpu.VMEM((GC,), jnp.float32),
        pltpu.VMEM((GC,), jnp.float32),
        pltpu.VMEM((GC,), jnp.float32),
        pltpu.VMEM((GC,), jnp.float32),
        pltpu.VMEM((GC,), jnp.float32),
        pltpu.VMEM((GC,), jnp.float32),
        pltpu.VMEM((GC,), jnp.float32),
        pltpu.VMEM((GC,), jnp.float32),
        pltpu.VMEM((16,), jnp.float32),
        pltpu.VMEM((RAYS_PER_W,), jnp.float32),
        pltpu.VMEM((RAYS_PER_W,), jnp.float32),
        pltpu.VMEM((3 * RAYS_PER_W,), jnp.float32),
        pltpu.VMEM((16,), jnp.int32),
        pltpu.SemaphoreType.DMA,
        pltpu.SemaphoreType.DMA,
        pltpu.SemaphoreType.DMA,
        pltpu.SemaphoreType.DMA,
        pltpu.SemaphoreType.DMA,
    ),
)
def _composite(sd_hbm, acc_hbm, ts_hbm, rgb_hbm, thr_hbm,
               cnt_out, opac_out, depth_out, rgb_out, ws_out,
               sd_a, acc_a, ts_a, r_a, g_a, b_a,
               sd_b, acc_b, ts_b, r_b, g_b, b_b, w_v, zero_v,
               thr_v, opac_s, depth_s, rgb_s, cnt_s,
               fsem_a, fsem_b, wsem, zsem, esem):
    wid = lax.axis_index("c") * NS + lax.axis_index("s")
    wbase = wid * RAYS_PER_W
    pltpu.sync_copy(thr_hbm, thr_v)
    thr = thr_v[...]
    thr_s = lax.reduce_max(thr, (0,))
    iota = lax.iota(jnp.int32, 16)
    row = iota * C
    zf = jnp.zeros((16,), jnp.float32)
    zi = jnp.zeros((16,), jnp.int32)

    def zinit(i, acc_):
        zero_v[pl.ds(i * 16, 16)] = zf
        return acc_
    lax.fori_loop(0, GC // 16, zinit, 0)

    set_a = (sd_a, acc_a, ts_a, r_a, g_a, b_a, fsem_a)
    set_b = (sd_b, acc_b, ts_b, r_b, g_b, b_b, fsem_b)

    def fire_fetch(c, off, bufs):
        sd_v, acc_v, ts_v, r_v, g_v, b_v, fsem = bufs
        pltpu.async_copy(sd_hbm.at[pl.ds(c * PLANE + off, GC)], sd_v, fsem)
        pltpu.async_copy(acc_hbm.at[pl.ds(c * PLANE + off, GC)], acc_v, fsem)
        pltpu.async_copy(ts_hbm.at[pl.ds(c * PLANE + off, GC)], ts_v, fsem)
        pltpu.async_copy(rgb_hbm.at[pl.ds(c * PLANE + off, GC)], r_v, fsem)
        pltpu.async_copy(rgb_hbm.at[pl.ds((NCH + c) * PLANE + off, GC)],
                         g_v, fsem)
        pltpu.async_copy(rgb_hbm.at[pl.ds((2 * NCH + c) * PLANE + off, GC)],
                         b_v, fsem)

    def drain_fetch(bufs):
        fsem = bufs[6]
        for dst in bufs[:6]:
            pltpu.make_async_copy(sd_hbm.at[pl.ds(0, GC)], dst, fsem).wait()

    def run_chunk(bufs, excl0, accums):
        sd_v, acc_v, ts_v, r_v, g_v, b_v, _ = bufs

        def substep(colj, carry):
            opac, dep, r0, r1, r2, cnt, _ = carry
            sdj = plsc.load_gather(sd_v, [colj])
            accj = plsc.load_gather(acc_v, [colj])
            tsj = plsc.load_gather(ts_v, [colj])
            exclj = accj - sdj
            T = jnp.exp(excl0 - exclj)
            alpha = 1.0 - jnp.exp(-sdj)
            mask = T > thr
            w = jnp.where(mask, alpha * T, 0.0)
            plsc.store_scatter(w_v, [colj], w)
            q0 = plsc.load_gather(r_v, [colj])
            q1 = plsc.load_gather(g_v, [colj])
            q2 = plsc.load_gather(b_v, [colj])
            return (opac + w, dep + w * tsj,
                    r0 + w * q0, r1 + w * q1, r2 + w * q2,
                    cnt + jnp.where(mask, 1, 0), T)

        def step(j, carry):
            colj = row + 2 * j
            return substep(colj + 1, substep(colj, carry))
        return lax.fori_loop(0, C // 2, step, accums + (zf,))

    def wdrain():
        pltpu.make_async_copy(ws_out.at[pl.ds(0, GC)], w_v, wsem).wait()

    def process_group(g, bufs, carry):
        cnt_carry, nzero = carry
        sd_v, acc_v = bufs[0], bufs[1]
        ray0 = wbase + g * G
        off = ray0 * C
        sd0 = plsc.load_gather(sd_v, [row])
        acc0 = plsc.load_gather(acc_v, [row])
        excl0 = acc0 - sd0
        st = run_chunk(bufs, excl0, (zf, zf, zf, zf, zf, zi))
        pltpu.async_copy(w_v, ws_out.at[pl.ds(off, GC)], wsem)

        def chunk_iter(c, state):
            opac, dep, r0, r1, r2, cnt, alive, nz = state

            def live(_):
                wdrain()
                fire_fetch(c, off, bufs)
                drain_fetch(bufs)
                o2, d2, q0, q1, q2, c2, Tl = run_chunk(
                    bufs, excl0, (opac, dep, r0, r1, r2, cnt))
                pltpu.async_copy(
                    w_v, ws_out.at[pl.ds(c * PLANE + off, GC)], wsem)
                return (o2, d2, q0, q1, q2, c2,
                        lax.reduce_max(Tl, (0,)) > thr_s, nz)

            def dead(_):
                pltpu.async_copy(
                    zero_v, ws_out.at[pl.ds(c * PLANE + off, GC)], zsem)
                return (opac, dep, r0, r1, r2, cnt, jnp.bool_(False), nz + 1)

            return lax.cond(alive, live, dead, 0)

        alive0 = lax.reduce_max(st[6], (0,)) > thr_s
        state = (st[0], st[1], st[2], st[3], st[4], st[5], alive0, nzero)
        opac, dep, r0, r1, r2, cnt, _, nzero = lax.fori_loop(
            1, NCH, chunk_iter, state)

        gb = g * G
        opac_s[pl.ds(gb, G)] = opac
        depth_s[pl.ds(gb, G)] = dep
        plsc.store_scatter(rgb_s, [3 * gb + iota * 3], r0)
        plsc.store_scatter(rgb_s, [3 * gb + iota * 3 + 1], r1)
        plsc.store_scatter(rgb_s, [3 * gb + iota * 3 + 2], r2)

        wdrain()
        return (cnt_carry + cnt, nzero)

    fire_fetch(0, wbase * C, set_a)

    def pair_body(i, carry):
        ga = 2 * i
        gb_ = 2 * i + 1
        drain_fetch(set_a)
        fire_fetch(0, (wbase + gb_ * G) * C, set_b)
        carry = process_group(ga, set_a, carry)
        drain_fetch(set_b)

        @pl.when(i + 1 < GROUPS // 2)
        def _():
            fire_fetch(0, (wbase + (ga + 2) * G) * C, set_a)
        carry = process_group(gb_, set_b, carry)
        return carry

    cnt_total, nzero = lax.fori_loop(
        0, GROUPS // 2, pair_body, (zi, jnp.int32(0)))
    cnt_s[...] = cnt_total

    def zdrain(i, acc_):
        pltpu.make_async_copy(ws_out.at[pl.ds(0, GC)], zero_v, zsem).wait()
        return acc_
    lax.fori_loop(0, nzero, zdrain, 0)

    eps = [
        pltpu.async_copy(opac_s, opac_out.at[pl.ds(wbase, RAYS_PER_W)], esem),
        pltpu.async_copy(depth_s, depth_out.at[pl.ds(wbase, RAYS_PER_W)], esem),
        pltpu.async_copy(
            rgb_s, rgb_out.at[pl.ds(wbase * 3, 3 * RAYS_PER_W)], esem),
        pltpu.async_copy(cnt_s, cnt_out.at[pl.ds(wid * 16, 16)], esem),
    ]
    for cp in eps:
        cp.wait()


def kernel(sigmas, rgbs, deltas, ts, rays_a, T_threshold):
    sd = sigmas * deltas
    acc = jnp.cumsum(sd)
    thr = jnp.full((16,), T_threshold, jnp.float32)
    to_cm = lambda x: x.reshape(R, NCH, C).transpose(1, 0, 2).reshape(-1)
    rgb_cm = rgbs.reshape(R, NCH, C, 3).transpose(3, 1, 0, 2).reshape(-1)
    cnt, opac, dep, rgbf, ws_cm = _composite(
        to_cm(sd), to_cm(acc), to_cm(ts), rgb_cm, thr)
    ws = ws_cm.reshape(NCH, R, C).transpose(1, 0, 2).reshape(R * S)
    return (jnp.sum(cnt).astype(jnp.int32), opac, dep,
            rgbf.reshape(R, 3), ws)

# --- scband reference (transcript-rebuilt; emitter-appended) ---
"""Pipeline reference for scband-volume-renderer-1571958030563 (READ-ONLY COPY).

The authoritative reference and input builder live on the scoring server;
editing this copy changes nothing except your own understanding.
"""

import jax, jax.numpy as jnp
import numpy as np

R = 8192
S = 512
TOTAL = R * S

def setup_inputs(seed: int = 0) -> dict:
    key = jax.random.key(seed)
    k1, k2, k3, k4 = jax.random.split(key, 4)
    sigmas = jax.random.uniform(k1, (TOTAL,), dtype=jnp.float32)
    rgbs = jax.random.uniform(k2, (TOTAL, 3), dtype=jnp.float32)
    deltas = jax.random.uniform(k3, (TOTAL,), dtype=jnp.float32)
    ts = jnp.sort(jax.random.uniform(k4, (R, S), dtype=jnp.float32), axis=1).reshape(TOTAL)
    rays_a = jnp.stack([
        jnp.arange(R, dtype=jnp.int32),
        jnp.arange(R, dtype=jnp.int32) * S,
        jnp.full((R,), S, dtype=jnp.int32),
    ], axis=1)
    return {"sigmas": sigmas, "rgbs": rgbs, "deltas": deltas, "ts": ts, "rays_a": rays_a, "T_threshold": 1e-4}

def reference(sigmas, rgbs, deltas, ts, rays_a, T_threshold):
    n_rays = rays_a.shape[0]
    total = sigmas.shape[0]
    # per-sample segment ids and segment start offsets (ragged layout from rays_a)
    seg = jnp.repeat(rays_a[:, 0], rays_a[:, 2], total_repeat_length=total)
    starts = jnp.repeat(rays_a[:, 1], rays_a[:, 2], total_repeat_length=total)
    sd = sigmas * deltas
    # exclusive within-ray cumulative optical depth -> transmittance T before each sample
    acc = jnp.cumsum(sd)
    acc_excl = acc - sd
    T = jnp.exp(-(acc_excl - jnp.take(acc_excl, starts)))
    # early-termination: kernel stops accumulating once T <= T_threshold; T is
    # monotonically non-increasing within a ray so a pointwise mask is equivalent
    mask = (T > T_threshold).astype(sigmas.dtype)
    alpha = 1.0 - jnp.exp(-sd)
    w = alpha * T * mask
    opacity = jax.ops.segment_sum(w, seg, num_segments=n_rays)
    depth = jax.ops.segment_sum(w * ts, seg, num_segments=n_rays)
    rgb = jax.ops.segment_sum(w[:, None] * rgbs, seg, num_segments=n_rays)
    ws = w
    total_samples_sum = jnp.sum(mask).astype(jnp.int32)
    return (total_samples_sum, opacity, depth, rgb, ws)

if __name__ == "__main__":
    import jax
    _d = setup_inputs()
    print(jax.jit(kernel)(*tuple(_d.values())))

</pallas_src>

<mosaic_0001>
#map = affine_map<(d0, d1) -> (0)>
module attributes {stable_mosaic.version = 14 : i64} {
  func.func @_composite(%arg0: i32, %arg1: i32, %arg2: memref<4194304xf32, #tpu.memory_space<hbm>>, %arg3: memref<4194304xf32, #tpu.memory_space<hbm>>, %arg4: memref<4194304xf32, #tpu.memory_space<hbm>>, %arg5: memref<12582912xf32, #tpu.memory_space<hbm>>, %arg6: memref<16xf32, #tpu.memory_space<hbm>>, %arg7: memref<512xi32, #tpu.memory_space<hbm>>, %arg8: memref<8192xf32, #tpu.memory_space<hbm>>, %arg9: memref<8192xf32, #tpu.memory_space<hbm>>, %arg10: memref<24576xf32, #tpu.memory_space<hbm>>, %arg11: memref<4194304xf32, #tpu.memory_space<hbm>>, %arg12: memref<2048xf32, #tpu.memory_space<vmem>>, %arg13: memref<2048xf32, #tpu.memory_space<vmem>>, %arg14: memref<2048xf32, #tpu.memory_space<vmem>>, %arg15: memref<2048xf32, #tpu.memory_space<vmem>>, %arg16: memref<2048xf32, #tpu.memory_space<vmem>>, %arg17: memref<2048xf32, #tpu.memory_space<vmem>>, %arg18: memref<2048xf32, #tpu.memory_space<vmem>>, %arg19: memref<2048xf32, #tpu.memory_space<vmem>>, %arg20: memref<2048xf32, #tpu.memory_space<vmem>>, %arg21: memref<2048xf32, #tpu.memory_space<vmem>>, %arg22: memref<2048xf32, #tpu.memory_space<vmem>>, %arg23: memref<2048xf32, #tpu.memory_space<vmem>>, %arg24: memref<2048xf32, #tpu.memory_space<vmem>>, %arg25: memref<2048xf32, #tpu.memory_space<vmem>>, %arg26: memref<16xf32, #tpu.memory_space<vmem>>, %arg27: memref<256xf32, #tpu.memory_space<vmem>>, %arg28: memref<256xf32, #tpu.memory_space<vmem>>, %arg29: memref<768xf32, #tpu.memory_space<vmem>>, %arg30: memref<16xi32, #tpu.memory_space<vmem>>, %arg31: memref<!tpu.dma_semaphore, #tpu.memory_space<semaphore_mem>>, %arg32: memref<!tpu.dma_semaphore, #tpu.memory_space<semaphore_mem>>, %arg33: memref<!tpu.dma_semaphore, #tpu.memory_space<semaphore_mem>>, %arg34: memref<!tpu.dma_semaphore, #tpu.memory_space<semaphore_mem>>, %arg35: memref<!tpu.dma_semaphore, #tpu.memory_space<semaphore_mem>>) attributes {dimension_semantics = [#tpu.dimension_semantics<core_parallel>, #tpu.dimension_semantics<subcore_parallel>], iteration_bounds = array<i64: 2, 16>, scalar_prefetch = 0 : i64, scratch_operands = 24 : i64, tpu.core_type = #tpu.core_type<sc_vector_subcore>, window_params = [{transform_indices = #map}, {transform_indices = #map}, {transform_indices = #map}, {transform_indices = #map}, {transform_indices = #map}, {transform_indices = #map}, {transform_indices = #map}, {transform_indices = #map}, {transform_indices = #map}, {transform_indices = #map}]} {
    %mul3A = arith.constant 16 : i32
    %mul3A_0 = arith.muli %arg0, %mul3A : i32
    %add3A = arith.addi %mul3A_0, %arg1 : i32
    %mul3A_1 = arith.constant 256 : i32
    %mul3A_2 = arith.muli %add3A, %mul3A_1 : i32
    "tpu.region"() ({
      %run_scoped3A = tpu.sem_alloc : memref<!tpu.dma_semaphore, #tpu.memory_space<semaphore_mem>>
      tpu.enqueue_dma source(%arg6 : memref<16xf32, #tpu.memory_space<hbm>>) target(%arg26 : memref<16xf32, #tpu.memory_space<vmem>>) target_semaphore(%run_scoped3A : memref<!tpu.dma_semaphore, #tpu.memory_space<semaphore_mem>>)
      tpu.wait_dma2 semaphore(%run_scoped3A : memref<!tpu.dma_semaphore, #tpu.memory_space<semaphore_mem>>) src(%arg6 : memref<16xf32, #tpu.memory_space<hbm>>) dst(%arg26 : memref<16xf32, #tpu.memory_space<vmem>>)
      tpu.yield
    }) : () -> ()
    %get3A = arith.constant 0 : index
    %get3A_3 = tpu.vector_load %arg26[%get3A] {strides = array<i32>} : memref<16xf32, #tpu.memory_space<vmem>>, vector<16xf32>,
    %reduce_max3A = arith.constant true
    %reduce_max3A_4 = vector.broadcast %reduce_max3A : i1 to vector<16xi1>
    %reduce_max3A_5 = tpu.scan <max>, %get3A_3 masked %reduce_max3A_4 : vector<16xf32>, vector<16xi1> -> vector<16xf32>
    %reduce_max3A_6 = vector.extract %reduce_max3A_5[15] : f32 from vector<16xf32>
    %iota3A = tpu.iota {dimensions = array<i32: 0>} : vector<16xi32>
    %mul3A_7 = arith.constant 128 : i32
    %mul3A_8 = vector.broadcast %mul3A_7 : i32 to vector<16xi32>
    %mul3A_9 = arith.muli %iota3A, %mul3A_8 : vector<16xi32>
    %broadcast_in_dim3A = arith.constant 0.000000e+00 : f32
    %broadcast_in_dim3A_10 = vector.broadcast %broadcast_in_dim3A : f32 to vector<16xf32>
    %broadcast_in_dim3A_11 = arith.constant 0 : i32
    %broadcast_in_dim3A_12 = vector.broadcast %broadcast_in_dim3A_11 : i32 to vector<16xi32>
    %scan3A = arith.constant 0 : i32
    %scan3A_13 = arith.constant 0 : i32
    %scan3A_14 = arith.constant 128 : i32
    %scan3A_15 = arith.addi %scan3A_13, %scan3A_14 : i32
    %scan3A_16 = arith.constant 1 : i32
    scf.for %scan3A_79 = %scan3A_13 to %scan3A_15 step %scan3A_16  : i32 {
      %mul3A_80 = arith.constant 16 : i32
      %mul3A_81 = arith.muli %scan3A_79, %mul3A_80 : i32
      %swap3A_82 = arith.index_cast %mul3A_81 : i32 to index
      %swap3A_83 = tpu.vector_load %arg25[%swap3A_82] {strides = array<i32>} : memref<2048xf32, #tpu.memory_space<vmem>>, vector<16xf32>,
      tpu.vector_store %arg25[%swap3A_82], %broadcast_in_dim3A_10 {strides = array<i32>} : memref<2048xf32, #tpu.memory_space<vmem>>, vector<16xf32>,
    }
    %scan3A_17 = arith.constant 128 : i32
    %mul3A_18 = arith.constant 128 : i32
    %mul3A_19 = arith.muli %mul3A_2, %mul3A_18 : i32
    %add3A_20 = arith.constant 0 : i32
    %add3A_21 = arith.addi %add3A_20, %mul3A_19 : i32
    %dma_start3A = tpu.memref_slice %arg2[%add3A_21] : memref<4194304xf32, #tpu.memory_space<hbm>> -> memref<2048xf32, #tpu.memory_space<hbm>>
    %dma_start3A_22 = tpu.memref_slice %arg2[%add3A_21] : memref<4194304xf32, #tpu.memory_space<hbm>> -> memref<2048xf32, #tpu.memory_space<hbm>>
    tpu.enqueue_dma source(%dma_start3A_22 : memref<2048xf32, #tpu.memory_space<hbm>>) target(%arg12 : memref<2048xf32, #tpu.memory_space<vmem>>) target_semaphore(%arg31 : memref<!tpu.dma_semaphore, #tpu.memory_space<semaphore_mem>>)
    %add3A_23 = arith.constant 0 : i32
    %add3A_24 = arith.addi %add3A_23, %mul3A_19 : i32
    %dma_start3A_25 = tpu.memref_slice %arg3[%add3A_24] : memref<4194304xf32, #tpu.memory_space<hbm>> -> memref<2048xf32, #tpu.memory_space<hbm>>
    %dma_start3A_26 = tpu.memref_slice %arg3[%add3A_24] : memref<4194304xf32, #tpu.memory_space<hbm>> -> memref<2048xf32, #tpu.memory_space<hbm>>
    tpu.enqueue_dma source(%dma_start3A_26 : memref<2048xf32, #tpu.memory_space<hbm>>) target(%arg13 : memref<2048xf32, #tpu.memory_space<vmem>>) target_semaphore(%arg31 : memref<!tpu.dma_semaphore, #tpu.memory_space<semaphore_mem>>)
    %add3A_27 = arith.constant 0 : i32
    %add3A_28 = arith.addi %add3A_27, %mul3A_19 : i32
    %dma_start3A_29 = tpu.memref_slice %arg4[%add3A_28] : memref<4194304xf32, #tpu.memory_space<hbm>> -> memref<2048xf32, #tpu.memory_space<hbm>>
    %dma_start3A_30 = tpu.memref_slice %arg4[%add3A_28] : memref<4194304xf32, #tpu.memory_space<hbm>> -> memref<2048xf32, #tpu.memory_space<hbm>>
    tpu.enqueue_dma source(%dma_start3A_30 : memref<2048xf32, #tpu.memory_space<hbm>>) target(%arg14 : memref<2048xf32, #tpu.memory_space<vmem>>) target_semaphore(%arg31 : memref<!tpu.dma_semaphore, #tpu.memory_space<semaphore_mem>>)
    %add3A_31 = arith.constant 0 : i32
    %add3A_32 = arith.addi %add3A_31, %mul3A_19 : i32
    %dma_start3A_33 = tpu.memref_slice %arg5[%add3A_32] : memref<12582912xf32, #tpu.memory_space<hbm>> -> memref<2048xf32, #tpu.memory_space<hbm>>
    %dma_start3A_34 = tpu.memref_slice %arg5[%add3A_32] : memref<12582912xf32, #tpu.memory_space<hbm>> -> memref<2048xf32, #tpu.memory_space<hbm>>
    tpu.enqueue_dma source(%dma_start3A_34 : memref<2048xf32, #tpu.memory_space<hbm>>) target(%arg15 : memref<2048xf32, #tpu.memory_space<vmem>>) target_semaphore(%arg31 : memref<!tpu.dma_semaphore, #tpu.memory_space<semaphore_mem>>)
    %add3A_35 = arith.constant 4194304 : i32
    %add3A_36 = arith.addi %add3A_35, %mul3A_19 : i32
    %dma_start3A_37 = tpu.memref_slice %arg5[%add3A_36] : memref<12582912xf32, #tpu.memory_space<hbm>> -> memref<2048xf32, #tpu.memory_space<hbm>>
    %dma_start3A_38 = tpu.memref_slice %arg5[%add3A_36] : memref<12582912xf32, #tpu.memory_space<hbm>> -> memref<2048xf32, #tpu.memory_space<hbm>>
    tpu.enqueue_dma source(%dma_start3A_38 : memref<2048xf32, #tpu.memory_space<hbm>>) target(%arg16 : memref<2048xf32, #tpu.memory_space<vmem>>) target_semaphore(%arg31 : memref<!tpu.dma_semaphore, #tpu.memory_space<semaphore_mem>>)
    %add3A_39 = arith.constant 8388608 : i32
    %add3A_40 = arith.addi %add3A_39, %mul3A_19 : i32
    %dma_start3A_41 = tpu.memref_slice %arg5[%add3A_40] : memref<12582912xf32, #tpu.memory_space<hbm>> -> memref<2048xf32, #tpu.memory_space<hbm>>
    %dma_start3A_42 = tpu.memref_slice %arg5[%add3A_40] : memref<12582912xf32, #tpu.memory_space<hbm>> -> memref<2048xf32, #tpu.memory_space<hbm>>
    tpu.enqueue_dma source(%dma_start3A_42 : memref<2048xf32, #tpu.memory_space<hbm>>) target(%arg17 : memref<2048xf32, #tpu.memory_space<vmem>>) target_semaphore(%arg31 : memref<!tpu.dma_semaphore, #tpu.memory_space<semaphore_mem>>)
    %scan3A_43 = arith.constant 0 : i32
    %scan3A_44 = arith.constant 0 : i32
    %scan3A_45 = arith.constant 8 : i32
    %scan3A_46 = arith.addi %scan3A_44, %scan3A_45 : i32
    %scan3A_47 = arith.constant 1 : i32
    %scan3A_48:2 = scf.for %scan3A_79 = %scan3A_44 to %scan3A_46 step %scan3A_47 iter_args(%scan3A_80 = %broadcast_in_dim3A_12, %scan3A_81 = %scan3A_43) -> (vector<16xi32>, i32)  : i32 {
      %mul3A_82 = arith.constant 2 : i32
      %mul3A_83 = arith.muli %mul3A_82, %scan3A_79 : i32
      %mul3A_84 = arith.constant 2 : i32
      %mul3A_85 = arith.muli %mul3A_84, %scan3A_79 : i32
      %add3A_86 = arith.constant 1 : i32
      %add3A_87 = arith.addi %mul3A_85, %add3A_86 : i32
      %dma_wait3A_88 = arith.constant 0 : i32
      %dma_wait3A_89 = tpu.memref_slice %arg2[%dma_wait3A_88] : memref<4194304xf32, #tpu.memory_space<hbm>> -> memref<2048xf32, #tpu.memory_space<hbm>>
      %dma_wait3A_90 = arith.constant 0 : i32
      %dma_wait3A_91 = tpu.memref_slice %arg2[%dma_wait3A_90] : memref<4194304xf32, #tpu.memory_space<hbm>> -> memref<2048xf32, #tpu.memory_space<hbm>>
      tpu.wait_dma2 semaphore(%arg31 : memref<!tpu.dma_semaphore, #tpu.memory_space<semaphore_mem>>) src(%dma_wait3A_91 : memref<2048xf32, #tpu.memory_space<hbm>>) dst(%arg12 : memref<2048xf32, #tpu.memory_space<vmem>>)
      %dma_wait3A_92 = arith.constant 0 : i32
      %dma_wait3A_93 = tpu.memref_slice %arg2[%dma_wait3A_92] : memref<4194304xf32, #tpu.memory_space<hbm>> -> memref<2048xf32, #tpu.memory_space<hbm>>
      %dma_wait3A_94 = arith.constant 0 : i32
      %dma_wait3A_95 = tpu.memref_slice %arg2[%dma_wait3A_94] : memref<4194304xf32, #tpu.memory_space<hbm>> -> memref<2048xf32, #tpu.memory_space<hbm>>
      tpu.wait_dma2 semaphore(%arg31 : memref<!tpu.dma_semaphore, #tpu.memory_space<semaphore_mem>>) src(%dma_wait3A_95 : memref<2048xf32, #tpu.memory_space<hbm>>) dst(%arg13 : memref<2048xf32, #tpu.memory_space<vmem>>)
      %dma_wait3A_96 = arith.constant 0 : i32
      %dma_wait3A_97 = tpu.memref_slice %arg2[%dma_wait3A_96] : memref<4194304xf32, #tpu.memory_space<hbm>> -> memref<2048xf32, #tpu.memory_space<hbm>>
      %dma_wait3A_98 = arith.constant 0 : i32
      %dma_wait3A_99 = tpu.memref_slice %arg2[%dma_wait3A_98] : memref<4194304xf32, #tpu.memory_space<hbm>> -> memref<2048xf32, #tpu.memory_space<hbm>>
      tpu.wait_dma2 semaphore(%arg31 : memref<!tpu.dma_semaphore, #tpu.memory_space<semaphore_mem>>) src(%dma_wait3A_99 : memref<2048xf32, #tpu.memory_space<hbm>>) dst(%arg14 : memref<2048xf32, #tpu.memory_space<vmem>>)
      %dma_wait3A_100 = arith.constant 0 : i32
      %dma_wait3A_101 = tpu.memref_slice %arg2[%dma_wait3A_100] : memref<4194304xf32, #tpu.memory_space<hbm>> -> memref<2048xf32, #tpu.memory_space<hbm>>
      %dma_wait3A_102 = arith.constant 0 : i32
      %dma_wait3A_103 = tpu.memref_slice %arg2[%dma_wait3A_102] : memref<4194304xf32, #tpu.memory_space<hbm>> -> memref<2048xf32, #tpu.memory_space<hbm>>
      tpu.wait_dma2 semaphore(%arg31 : memref<!tpu.dma_semaphore, #tpu.memory_space<semaphore_mem>>) src(%dma_wait3A_103 : memref<2048xf32, #tpu.memory_space<hbm>>) dst(%arg15 : memref<2048xf32, #tpu.memory_space<vmem>>)
      %dma_wait3A_104 = arith.constant 0 : i32
      %dma_wait3A_105 = tpu.memref_slice %arg2[%dma_wait3A_104] : memref<4194304xf32, #tpu.memory_space<hbm>> -> memref<2048xf32, #tpu.memory_space<hbm>>
      %dma_wait3A_106 = arith.constant 0 : i32
      %dma_wait3A_107 = tpu.memref_slice %arg2[%dma_wait3A_106] : memref<4194304xf32, #tpu.memory_space<hbm>> -> memref<2048xf32, #tpu.memory_space<hbm>>
      tpu.wait_dma2 semaphore(%arg31 : memref<!tpu.dma_semaphore, #tpu.memory_space<semaphore_mem>>) src(%dma_wait3A_107 : memref<2048xf32, #tpu.memory_space<hbm>>) dst(%arg16 : memref<2048xf32, #tpu.memory_space<vmem>>)
      %dma_wait3A_108 = arith.constant 0 : i32
      %dma_wait3A_109 = tpu.memref_slice %arg2[%dma_wait3A_108] : memref<4194304xf32, #tpu.memory_space<hbm>> -> memref<2048xf32, #tpu.memory_space<hbm>>
      %dma_wait3A_110 = arith.constant 0 : i32
      %dma_wait3A_111 = tpu.memref_slice %arg2[%dma_wait3A_110] : memref<4194304xf32, #tpu.memory_space<hbm>> -> memref<2048xf32, #tpu.memory_space<hbm>>
      tpu.wait_dma2 semaphore(%arg31 : memref<!tpu.dma_semaphore, #tpu.memory_space<semaphore_mem>>) src(%dma_wait3A_111 : memref<2048xf32, #tpu.memory_space<hbm>>) dst(%arg17 : memref<2048xf32, #tpu.memory_space<vmem>>)
      %mul3A_112 = arith.constant 16 : i32
      %mul3A_113 = arith.muli %add3A_87, %mul3A_112 : i32
      %add3A_114 = arith.addi %mul3A_2, %mul3A_113 : i32
      %mul3A_115 = arith.constant 128 : i32
      %mul3A_116 = arith.muli %add3A_114, %mul3A_115 : i32
      %add3A_117 = arith.constant 0 : i32
      %add3A_118 = arith.addi %add3A_117, %mul3A_116 : i32
      %dma_start3A_119 = tpu.memref_slice %arg2[%add3A_118] : memref<4194304xf32, #tpu.memory_space<hbm>> -> memref<2048xf32, #tpu.memory_space<hbm>>
      %dma_start3A_120 = tpu.memref_slice %arg2[%add3A_118] : memref<4194304xf32, #tpu.memory_space<hbm>> -> memref<2048xf32, #tpu.memory_space<hbm>>
      tpu.enqueue_dma source(%dma_start3A_120 : memref<2048xf32, #tpu.memory_space<hbm>>) target(%arg18 : memref<2048xf32, #tpu.memory_space<vmem>>) target_semaphore(%arg32 : memref<!tpu.dma_semaphore, #tpu.memory_space<semaphore_mem>>)
      %add3A_121 = arith.constant 0 : i32
      %add3A_122 = arith.addi %add3A_121, %mul3A_116 : i32
      %dma_start3A_123 = tpu.memref_slice %arg3[%add3A_122] : memref<4194304xf32, #tpu.memory_space<hbm>> -> memref<2048xf32, #tpu.memory_space<hbm>>
      %dma_start3A_124 = tpu.memref_slice %arg3[%add3A_122] : memref<4194304xf32, #tpu.memory_space<hbm>> -> memref<2048xf32, #tpu.memory_space<hbm>>
      tpu.enqueue_dma source(%dma_start3A_124 : memref<2048xf32, #tpu.memory_space<hbm>>) target(%arg19 : memref<2048xf32, #tpu.memory_space<vmem>>) target_semaphore(%arg32 : memref<!tpu.dma_semaphore, #tpu.memory_space<semaphore_mem>>)
      %add3A_125 = arith.constant 0 : i32
      %add3A_126 = arith.addi %add3A_125, %mul3A_116 : i32
      %dma_start3A_127 = tpu.memref_slice %arg4[%add3A_126] : memref<4194304xf32, #tpu.memory_space<hbm>> -> memref<2048xf32, #tpu.memory_space<hbm>>
      %dma_start3A_128 = tpu.memref_slice %arg4[%add3A_126] : memref<4194304xf32, #tpu.memory_space<hbm>> -> memref<2048xf32, #tpu.memory_space<hbm>>
      tpu.enqueue_dma source(%dma_start3A_128 : memref<2048xf32, #tpu.memory_space<hbm>>) target(%arg20 : memref<2048xf32, #tpu.memory_space<vmem>>) target_semaphore(%arg32 : memref<!tpu.dma_semaphore, #tpu.memory_space<semaphore_mem>>)
      %add3A_129 = arith.constant 0 : i32
      %add3A_130 = arith.addi %add3A_129, %mul3A_116 : i32
      %dma_start3A_131 = tpu.memref_slice %arg5[%add3A_130] : memref<12582912xf32, #tpu.memory_space<hbm>> -> memref<2048xf32, #tpu.memory_space<hbm>>
      %dma_start3A_132 = tpu.memref_slice %arg5[%add3A_130] : memref<12582912xf32, #tpu.memory_space<hbm>> -> memref<2048xf32, #tpu.memory_space<hbm>>
      tpu.enqueue_dma source(%dma_start3A_132 : memref<2048xf32, #tpu.memory_space<hbm>>) target(%arg21 : memref<2048xf32, #tpu.memory_space<vmem>>) target_semaphore(%arg32 : memref<!tpu.dma_semaphore, #tpu.memory_space<semaphore_mem>>)
      %add3A_133 = arith.constant 4194304 : i32
      %add3A_134 = arith.addi %add3A_133, %mul3A_116 : i32
      %dma_start3A_135 = tpu.memref_slice %arg5[%add3A_134] : memref<12582912xf32, #tpu.memory_space<hbm>> -> memref<2048xf32, #tpu.memory_space<hbm>>
      %dma_start3A_136 = tpu.memref_slice %arg5[%add3A_134] : memref<12582912xf32, #tpu.memory_space<hbm>> -> memref<2048xf32, #tpu.memory_space<hbm>>
      tpu.enqueue_dma source(%dma_start3A_136 : memref<2048xf32, #tpu.memory_space<hbm>>) target(%arg22 : memref<2048xf32, #tpu.memory_space<vmem>>) target_semaphore(%arg32 : memref<!tpu.dma_semaphore, #tpu.memory_space<semaphore_mem>>)
      %add3A_137 = arith.constant 8388608 : i32
      %add3A_138 = arith.addi %add3A_137, %mul3A_116 : i32
      %dma_start3A_139 = tpu.memref_slice %arg5[%add3A_138] : memref<12582912xf32, #tpu.memory_space<hbm>> -> memref<2048xf32, #tpu.memory_space<hbm>>
      %dma_start3A_140 = tpu.memref_slice %arg5[%add3A_138] : memref<12582912xf32, #tpu.memory_space<hbm>> -> memref<2048xf32, #tpu.memory_space<hbm>>
      tpu.enqueue_dma source(%dma_start3A_140 : memref<2048xf32, #tpu.memory_space<hbm>>) target(%arg23 : memref<2048xf32, #tpu.memory_space<vmem>>) target_semaphore(%arg32 : memref<!tpu.dma_semaphore, #tpu.memory_space<semaphore_mem>>)
      %mul3A_141 = arith.constant 16 : i32
      %mul3A_142 = arith.muli %mul3A_83, %mul3A_141 : i32
      %add3A_143 = arith.addi %mul3A_2, %mul3A_142 : i32
      %mul3A_144 = arith.constant 128 : i32
      %mul3A_145 = arith.muli %add3A_143, %mul3A_144 : i32
      %gather3A = tpu.vector_load_idx %arg12[%mul3A_9] : memref<2048xf32, #tpu.memory_space<vmem>>[vector<16xi32>], vector<16xf32>,
      %gather3A_146 = tpu.vector_load_idx %arg13[%mul3A_9] : memref<2048xf32, #tpu.memory_space<vmem>>[vector<16xi32>], vector<16xf32>,
      %sub3A = arith.subf %gather3A_146, %gather3A : vector<16xf32>
      %scan3A_147 = arith.constant 0 : i32
      %scan3A_148 = arith.constant 64 : i32
      %scan3A_149 = arith.addi %scan3A_147, %scan3A_148 : i32
      %scan3A_150 = arith.constant 1 : i32
      %scan3A_151:7 = scf.for %scan3A_296 = %scan3A_147 to %scan3A_149 step %scan3A_150 iter_args(%scan3A_297 = %broadcast_in_dim3A_10, %scan3A_298 = %broadcast_in_dim3A_10, %scan3A_299 = %broadcast_in_dim3A_10, %scan3A_300 = %broadcast_in_dim3A_10, %scan3A_301 = %broadcast_in_dim3A_10, %scan3A_302 = %broadcast_in_dim3A_12, %scan3A_303 = %broadcast_in_dim3A_10) -> (vector<16xf32>, vector<16xf32>, vector<16xf32>, vector<16xf32>, vector<16xf32>, vector<16xi32>, vector<16xf32>)  : i32 {
        %mul3A_304 = arith.constant 2 : i32
        %mul3A_305 = arith.muli %mul3A_304, %scan3A_296 : i32
        %add3A_306 = vector.broadcast %mul3A_305 : i32 to vector<16xi32>
        %add3A_307 = arith.addi %mul3A_9, %add3A_306 : vector<16xi32>
        %add3A_308 = arith.constant 1 : i32
        %add3A_309 = vector.broadcast %add3A_308 : i32 to vector<16xi32>
        %add3A_310 = arith.addi %add3A_307, %add3A_309 : vector<16xi32>
        %gather3A_311 = tpu.vector_load_idx %arg12[%add3A_307] : memref<2048xf32, #tpu.memory_space<vmem>>[vector<16xi32>], vector<16xf32>,
        %gather3A_312 = tpu.vector_load_idx %arg13[%add3A_307] : memref<2048xf32, #tpu.memory_space<vmem>>[vector<16xi32>], vector<16xf32>,
        %gather3A_313 = tpu.vector_load_idx %arg14[%add3A_307] : memref<2048xf32, #tpu.memory_space<vmem>>[vector<16xi32>], vector<16xf32>,
        %sub3A_314 = arith.subf %gather3A_312, %gather3A_311 : vector<16xf32>
        %sub3A_315 = arith.subf %sub3A, %sub3A_314 : vector<16xf32>
        %exp3A = math.exp %sub3A_315 : vector<16xf32>
        %neg3A = arith.constant 0.000000e+00 : f32
        %neg3A_316 = vector.broadcast %neg3A : f32 to vector<16xf32>
        %neg3A_317 = arith.subf %neg3A_316, %gather3A_311 : vector<16xf32>
        %exp3A_318 = math.exp %neg3A_317 : vector<16xf32>
        %sub3A_319 = arith.constant 1.000000e+00 : f32
        %sub3A_320 = vector.broadcast %sub3A_319 : f32 to vector<16xf32>
        %sub3A_321 = arith.subf %sub3A_320, %exp3A_318 : vector<16xf32>
        %gt3A_322 = arith.cmpf ogt, %exp3A, %get3A_3 : vector<16xf32>
        %mul3A_323 = arith.mulf %sub3A_321, %exp3A : vector<16xf32>
        %jit3A = arith.constant 0.000000e+00 : f32
        %broadcast_in_dim3A_324 = vector.broadcast %jit3A : f32 to vector<16xf32>
        %select_n3A = arith.select %gt3A_322, %mul3A_323, %broadcast_in_dim3A_324 : vector<16xi1>, vector<16xf32>
        tpu.vector_store_idx %arg24[%add3A_307], %select_n3A : memref<2048xf32, #tpu.memory_space<vmem>>[vector<16xi32>], vector<16xf32>,
        %gather3A_325 = tpu.vector_load_idx %arg15[%add3A_307] : memref<2048xf32, #tpu.memory_space<vmem>>[vector<16xi32>], vector<16xf32>,
        %gather3A_326 = tpu.vector_load_idx %arg16[%add3A_307] : memref<2048xf32, #tpu.memory_space<vmem>>[vector<16xi32>], vector<16xf32>,
        %gather3A_327 = tpu.vector_load_idx %arg17[%add3A_307] : memref<2048xf32, #tpu.memory_space<vmem>>[vector<16xi32>], vector<16xf32>,
        %add3A_328 = arith.addf %scan3A_297, %select_n3A : vector<16xf32>
        %mul3A_329 = arith.mulf %select_n3A, %gather3A_313 : vector<16xf32>
        %add3A_330 = arith.addf %scan3A_298, %mul3A_329 : vector<16xf32>
        %mul3A_331 = arith.mulf %select_n3A, %gather3A_325 : vector<16xf32>
        %add3A_332 = arith.addf %scan3A_299, %mul3A_331 : vector<16xf32>
        %mul3A_333 = arith.mulf %select_n3A, %gather3A_326 : vector<16xf32>
        %add3A_334 = arith.addf %scan3A_300, %mul3A_333 : vector<16xf32>
        %mul3A_335 = arith.mulf %select_n3A, %gather3A_327 : vector<16xf32>
        %add3A_336 = arith.addf %scan3A_301, %mul3A_335 : vector<16xf32>
        %jit3A_337 = arith.constant 1 : i32
        %jit3A_338 = arith.constant 0 : i32
        %broadcast_in_dim3A_339 = vector.broadcast %jit3A_337 : i32 to vector<16xi32>
        %broadcast_in_dim3A_340 = vector.broadcast %jit3A_338 : i32 to vector<16xi32>
        %select_n3A_341 = arith.select %gt3A_322, %broadcast_in_dim3A_339, %broadcast_in_dim3A_340 : vector<16xi1>, vector<16xi32>
        %add3A_342 = arith.addi %scan3A_302, %select_n3A_341 : vector<16xi32>
        %gather3A_343 = tpu.vector_load_idx %arg12[%add3A_310] : memref<2048xf32, #tpu.memory_space<vmem>>[vector<16xi32>], vector<16xf32>,
        %gather3A_344 = tpu.vector_load_idx %arg13[%add3A_310] : memref<2048xf32, #tpu.memory_space<vmem>>[vector<16xi32>], vector<16xf32>,
        %gather3A_345 = tpu.vector_load_idx %arg14[%add3A_310] : memref<2048xf32, #tpu.memory_space<vmem>>[vector<16xi32>], vector<16xf32>,
        %sub3A_346 = arith.subf %gather3A_344, %gather3A_343 : vector<16xf32>
        %sub3A_347 = arith.subf %sub3A, %sub3A_346 : vector<16xf32>
        %exp3A_348 = math.exp %sub3A_347 : vector<16xf32>
        %neg3A_349 = arith.constant 0.000000e+00 : f32
        %neg3A_350 = vector.broadcast %neg3A_349 : f32 to vector<16xf32>
        %neg3A_351 = arith.subf %neg3A_350, %gather3A_343 : vector<16xf32>
        %exp3A_352 = math.exp %neg3A_351 : vector<16xf32>
        %sub3A_353 = arith.constant 1.000000e+00 : f32
        %sub3A_354 = vector.broadcast %sub3A_353 : f32 to vector<16xf32>
        %sub3A_355 = arith.subf %sub3A_354, %exp3A_352 : vector<16xf32>
        %gt3A_356 = arith.cmpf ogt, %exp3A_348, %get3A_3 : vector<16xf32>
        %mul3A_357 = arith.mulf %sub3A_355, %exp3A_348 : vector<16xf32>
        %jit3A_358 = arith.constant 0.000000e+00 : f32
        %broadcast_in_dim3A_359 = vector.broadcast %jit3A_358 : f32 to vector<16xf32>
        %select_n3A_360 = arith.select %gt3A_356, %mul3A_357, %broadcast_in_dim3A_359 : vector<16xi1>, vector<16xf32>
        tpu.vector_store_idx %arg24[%add3A_310], %select_n3A_360 : memref<2048xf32, #tpu.memory_space<vmem>>[vector<16xi32>], vector<16xf32>,
        %gather3A_361 = tpu.vector_load_idx %arg15[%add3A_310] : memref<2048xf32, #tpu.memory_space<vmem>>[vector<16xi32>], vector<16xf32>,
        %gather3A_362 = tpu.vector_load_idx %arg16[%add3A_310] : memref<2048xf32, #tpu.memory_space<vmem>>[vector<16xi32>], vector<16xf32>,
        %gather3A_363 = tpu.vector_load_idx %arg17[%add3A_310] : memref<2048xf32, #tpu.memory_space<vmem>>[vector<16xi32>], vector<16xf32>,
        %add3A_364 = arith.addf %add3A_328, %select_n3A_360 : vector<16xf32>
        %mul3A_365 = arith.mulf %select_n3A_360, %gather3A_345 : vector<16xf32>
        %add3A_366 = arith.addf %add3A_330, %mul3A_365 : vector<16xf32>
        %mul3A_367 = arith.mulf %select_n3A_360, %gather3A_361 : vector<16xf32>
        %add3A_368 = arith.addf %add3A_332, %mul3A_367 : vector<16xf32>
        %mul3A_369 = arith.mulf %select_n3A_360, %gather3A_362 : vector<16xf32>
        %add3A_370 = arith.addf %add3A_334, %mul3A_369 : vector<16xf32>
        %mul3A_371 = arith.mulf %select_n3A_360, %gather3A_363 : vector<16xf32>
        %add3A_372 = arith.addf %add3A_336, %mul3A_371 : vector<16xf32>
        %jit3A_373 = arith.constant 1 : i32
        %jit3A_374 = arith.constant 0 : i32
        %broadcast_in_dim3A_375 = vector.broadcast %jit3A_373 : i32 to vector<16xi32>
        %broadcast_in_dim3A_376 = vector.broadcast %jit3A_374 : i32 to vector<16xi32>
        %select_n3A_377 = arith.select %gt3A_356, %broadcast_in_dim3A_375, %broadcast_in_dim3A_376 : vector<16xi1>, vector<16xi32>
        %add3A_378 = arith.addi %add3A_342, %select_n3A_377 : vector<16xi32>
        scf.yield %add3A_364, %add3A_366, %add3A_368, %add3A_370, %add3A_372, %add3A_378, %exp3A_348 : vector<16xf32>, vector<16xf32>, vector<16xf32>, vector<16xf32>, vector<16xf32>, vector<16xi32>, vector<16xf32>
      }
      %scan3A_152 = arith.constant 64 : i32
      %dma_start3A_153 = tpu.memref_slice %arg11[%mul3A_145] : memref<4194304xf32, #tpu.memory_space<hbm>> -> memref<2048xf32, #tpu.memory_space<hbm>>
      %dma_start3A_154 = tpu.memref_slice %arg11[%mul3A_145] : memref<4194304xf32, #tpu.memory_space<hbm>> -> memref<2048xf32, #tpu.memory_space<hbm>>
      tpu.enqueue_dma source(%arg24 : memref<2048xf32, #tpu.memory_space<vmem>>) target(%dma_start3A_154 : memref<2048xf32, #tpu.memory_space<hbm>>) target_semaphore(%arg33 : memref<!tpu.dma_semaphore, #tpu.memory_space<semaphore_mem>>)
      %reduce_max3A_155 = arith.constant true
      %reduce_max3A_156 = vector.broadcast %reduce_max3A_155 : i1 to vector<16xi1>
      %reduce_max3A_157 = tpu.scan <max>, %scan3A_151#6 masked %reduce_max3A_156 : vector<16xf32>, vector<16xi1> -> vector<16xf32>
      %reduce_max3A_158 = vector.extract %reduce_max3A_157[15] : f32 from vector<16xf32>
      %gt3A = arith.cmpf ogt, %reduce_max3A_158, %reduce_max3A_6 : f32
      %scan3A_159 = arith.constant 1 : i32
      %scan3A_160 = arith.constant 3 : i32
      %scan3A_161 = arith.addi %scan3A_159, %scan3A_160 : i32
      %scan3A_162 = arith.constant 1 : i32
      %scan3A_163:8 = scf.for %scan3A_296 = %scan3A_159 to %scan3A_161 step %scan3A_162 iter_args(%scan3A_297 = %scan3A_151#0, %scan3A_298 = %scan3A_151#1, %scan3A_299 = %scan3A_151#2, %scan3A_300 = %scan3A_151#3, %scan3A_301 = %scan3A_151#4, %scan3A_302 = %scan3A_151#5, %scan3A_303 = %gt3A, %scan3A_304 = %scan3A_81) -> (vector<16xf32>, vector<16xf32>, vector<16xf32>, vector<16xf32>, vector<16xf32>, vector<16xi32>, i1, i32)  : i32 {
        %convert_element_type3A_305 = arith.extui %scan3A_303 : i1 to i32
        %cond3A_306 = arith.constant 0 : i32
        %cond3A_307 = arith.constant 0 : i32
        %cond3A_308 = arith.cmpi ne, %convert_element_type3A_305, %cond3A_307 : i32
        %cond3A_309:8 = scf.if %cond3A_308 -> (vector<16xf32>, vector<16xf32>, vector<16xf32>, vector<16xf32>, vector<16xf32>, vector<16xi32>, i1, i32) {
          %dma_wait3A_310 = arith.constant 0 : i32
          %dma_wait3A_311 = tpu.memref_slice %arg11[%dma_wait3A_310] : memref<4194304xf32, #tpu.memory_space<hbm>> -> memref<2048xf32, #tpu.memory_space<hbm>>
          %dma_wait3A_312 = arith.constant 0 : i32
          %dma_wait3A_313 = tpu.memref_slice %arg11[%dma_wait3A_312] : memref<4194304xf32, #tpu.memory_space<hbm>> -> memref<2048xf32, #tpu.memory_space<hbm>>
          tpu.wait_dma2 semaphore(%arg33 : memref<!tpu.dma_semaphore, #tpu.memory_space<semaphore_mem>>) src(%dma_wait3A_313 : memref<2048xf32, #tpu.memory_space<hbm>>) dst(%arg24 : memref<2048xf32, #tpu.memory_space<vmem>>)
          %mul3A_314 = arith.constant 1048576 : i32
          %mul3A_315 = arith.muli %scan3A_296, %mul3A_314 : i32
          %add3A_316 = arith.addi %mul3A_315, %mul3A_145 : i32
          %dma_start3A_317 = tpu.memref_slice %arg2[%add3A_316] : memref<4194304xf32, #tpu.memory_space<hbm>> -> memref<2048xf32, #tpu.memory_space<hbm>>
          %dma_start3A_318 = tpu.memref_slice %arg2[%add3A_316] : memref<4194304xf32, #tpu.memory_space<hbm>> -> memref<2048xf32, #tpu.memory_space<hbm>>
          tpu.enqueue_dma source(%dma_start3A_318 : memref<2048xf32, #tpu.memory_space<hbm>>) target(%arg12 : memref<2048xf32, #tpu.memory_space<vmem>>) target_semaphore(%arg31 : memref<!tpu.dma_semaphore, #tpu.memory_space<semaphore_mem>>)
          %mul3A_319 = arith.constant 1048576 : i32
          %mul3A_320 = arith.muli %scan3A_296, %mul3A_319 : i32
          %add3A_321 = arith.addi %mul3A_320, %mul3A_145 : i32
          %dma_start3A_322 = tpu.memref_slice %arg3[%add3A_321] : memref<4194304xf32, #tpu.memory_space<hbm>> -> memref<2048xf32, #tpu.memory_space<hbm>>
          %dma_start3A_323 = tpu.memref_slice %arg3[%add3A_321] : memref<4194304xf32, #tpu.memory_space<hbm>> -> memref<2048xf32, #tpu.memory_space<hbm>>
          tpu.enqueue_dma source(%dma_start3A_323 : memref<2048xf32, #tpu.memory_space<hbm>>) target(%arg13 : memref<2048xf32, #tpu.memory_space<vmem>>) target_semaphore(%arg31 : memref<!tpu.dma_semaphore, #tpu.memory_space<semaphore_mem>>)
          %mul3A_324 = arith.constant 1048576 : i32
          %mul3A_325 = arith.muli %scan3A_296, %mul3A_324 : i32
          %add3A_326 = arith.addi %mul3A_325, %mul3A_145 : i32
          %dma_start3A_327 = tpu.memref_slice %arg4[%add3A_326] : memref<4194304xf32, #tpu.memory_space<hbm>> -> memref<2048xf32, #tpu.memory_space<hbm>>
          %dma_start3A_328 = tpu.memref_slice %arg4[%add3A_326] : memref<4194304xf32, #tpu.memory_space<hbm>> -> memref<2048xf32, #tpu.memory_space<hbm>>
          tpu.enqueue_dma source(%dma_start3A_328 : memref<2048xf32, #tpu.memory_space<hbm>>) target(%arg14 : memref<2048xf32, #tpu.memory_space<vmem>>) target_semaphore(%arg31 : memref<!tpu.dma_semaphore, #tpu.memory_space<semaphore_mem>>)
          %mul3A_329 = arith.constant 1048576 : i32
          %mul3A_330 = arith.muli %scan3A_296, %mul3A_329 : i32
          %add3A_331 = arith.addi %mul3A_330, %mul3A_145 : i32
          %dma_start3A_332 = tpu.memref_slice %arg5[%add3A_331] : memref<12582912xf32, #tpu.memory_space<hbm>> -> memref<2048xf32, #tpu.memory_space<hbm>>
          %dma_start3A_333 = tpu.memref_slice %arg5[%add3A_331] : memref<12582912xf32, #tpu.memory_space<hbm>> -> memref<2048xf32, #tpu.memory_space<hbm>>
          tpu.enqueue_dma source(%dma_start3A_333 : memref<2048xf32, #tpu.memory_space<hbm>>) target(%arg15 : memref<2048xf32, #tpu.memory_space<vmem>>) target_semaphore(%arg31 : memref<!tpu.dma_semaphore, #tpu.memory_space<semaphore_mem>>)
          %add3A_334 = arith.constant 4 : i32
          %add3A_335 = arith.addi %add3A_334, %scan3A_296 : i32
          %mul3A_336 = arith.constant 1048576 : i32
          %mul3A_337 = arith.muli %add3A_335, %mul3A_336 : i32
          %add3A_338 = arith.addi %mul3A_337, %mul3A_145 : i32
          %dma_start3A_339 = tpu.memref_slice %arg5[%add3A_338] : memref<12582912xf32, #tpu.memory_space<hbm>> -> memref<2048xf32, #tpu.memory_space<hbm>>
          %dma_start3A_340 = tpu.memref_slice %arg5[%add3A_338] : memref<12582912xf32, #tpu.memory_space<hbm>> -> memref<2048xf32, #tpu.memory_space<hbm>>
          tpu.enqueue_dma source(%dma_start3A_340 : memref<2048xf32, #tpu.memory_space<hbm>>) target(%arg16 : memref<2048xf32, #tpu.memory_space<vmem>>) target_semaphore(%arg31 : memref<!tpu.dma_semaphore, #tpu.memory_space<semaphore_mem>>)
          %add3A_341 = arith.constant 8 : i32
          %add3A_342 = arith.addi %add3A_341, %scan3A_296 : i32
          %mul3A_343 = arith.constant 1048576 : i32
          %mul3A_344 = arith.muli %add3A_342, %mul3A_343 : i32
          %add3A_345 = arith.addi %mul3A_344, %mul3A_145 : i32
          %dma_start3A_346 = tpu.memref_slice %arg5[%add3A_345] : memref<12582912xf32, #tpu.memory_space<hbm>> -> memref<2048xf32, #tpu.memory_space<hbm>>
          %dma_start3A_347 = tpu.memref_slice %arg5[%add3A_345] : memref<12582912xf32, #tpu.memory_space<hbm>> -> memref<2048xf32, #tpu.memory_space<hbm>>
          tpu.enqueue_dma source(%dma_start3A_347 : memref<2048xf32, #tpu.memory_space<hbm>>) target(%arg17 : memref<2048xf32, #tpu.memory_space<vmem>>) target_semaphore(%arg31 : memref<!tpu.dma_semaphore, #tpu.memory_space<semaphore_mem>>)
          %dma_wait3A_348 = arith.constant 0 : i32
          %dma_wait3A_349 = tpu.memref_slice %arg2[%dma_wait3A_348] : memref<4194304xf32, #tpu.memory_space<hbm>> -> memref<2048xf32, #tpu.memory_space<hbm>>
          %dma_wait3A_350 = arith.constant 0 : i32
          %dma_wait3A_351 = tpu.memref_slice %arg2[%dma_wait3A_350] : memref<4194304xf32, #tpu.memory_space<hbm>> -> memref<2048xf32, #tpu.memory_space<hbm>>
          tpu.wait_dma2 semaphore(%arg31 : memref<!tpu.dma_semaphore, #tpu.memory_space<semaphore_mem>>) src(%dma_wait3A_351 : memref<2048xf32, #tpu.memory_space<hbm>>) dst(%arg12 : memref<2048xf32, #tpu.memory_space<vmem>>)
          %dma_wait3A_352 = arith.constant 0 : i32
          %dma_wait3A_353 = tpu.memref_slice %arg2[%dma_wait3A_352] : memref<4194304xf32, #tpu.memory_space<hbm>> -> memref<2048xf32, #tpu.memory_space<hbm>>
          %dma_wait3A_354 = arith.constant 0 : i32
          %dma_wait3A_355 = tpu.memref_slice %arg2[%dma_wait3A_354] : memref<4194304xf32, #tpu.memory_space<hbm>> -> memref<2048xf32, #tpu.memory_space<hbm>>
          tpu.wait_dma2 semaphore(%arg31 : memref<!tpu.dma_semaphore, #tpu.memory_space<semaphore_mem>>) src(%dma_wait3A_355 : memref<2048xf32, #tpu.memory_space<hbm>>) dst(%arg13 : memref<2048xf32, #tpu.memory_space<vmem>>)
          %dma_wait3A_356 = arith.constant 0 : i32
          %dma_wait3A_357 = tpu.memref_slice %arg2[%dma_wait3A_356] : memref<4194304xf32, #tpu.memory_space<hbm>> -> memref<2048xf32, #tpu.memory_space<hbm>>
          %dma_wait3A_358 = arith.constant 0 : i32
          %dma_wait3A_359 = tpu.memref_slice %arg2[%dma_wait3A_358] : memref<4194304xf32, #tpu.memory_space<hbm>> -> memref<2048xf32, #tpu.memory_space<hbm>>
          tpu.wait_dma2 semaphore(%arg31 : memref<!tpu.dma_semaphore, #tpu.memory_space<semaphore_mem>>) src(%dma_wait3A_359 : memref<2048xf32, #tpu.memory_space<hbm>>) dst(%arg14 : memref<2048xf32, #tpu.memory_space<vmem>>)
          %dma_wait3A_360 = arith.constant 0 : i32
          %dma_wait3A_361 = tpu.memref_slice %arg2[%dma_wait3A_360] : memref<4194304xf32, #tpu.memory_space<hbm>> -> memref<2048xf32, #tpu.memory_space<hbm>>
          %dma_wait3A_362 = arith.constant 0 : i32
          %dma_wait3A_363 = tpu.memref_slice %arg2[%dma_wait3A_362] : memref<4194304xf32, #tpu.memory_space<hbm>> -> memref<2048xf32, #tpu.memory_space<hbm>>
          tpu.wait_dma2 semaphore(%arg31 : memref<!tpu.dma_semaphore, #tpu.memory_space<semaphore_mem>>) src(%dma_wait3A_363 : memref<2048xf32, #tpu.memory_space<hbm>>) dst(%arg15 : memref<2048xf32, #tpu.memory_space<vmem>>)
          %dma_wait3A_364 = arith.constant 0 : i32
          %dma_wait3A_365 = tpu.memref_slice %arg2[%dma_wait3A_364] : memref<4194304xf32, #tpu.memory_space<hbm>> -> memref<2048xf32, #tpu.memory_space<hbm>>
          %dma_wait3A_366 = arith.constant 0 : i32
          %dma_wait3A_367 = tpu.memref_slice %arg2[%dma_wait3A_366] : memref<4194304xf32, #tpu.memory_space<hbm>> -> memref<2048xf32, #tpu.memory_space<hbm>>
          tpu.wait_dma2 semaphore(%arg31 : memref<!tpu.dma_semaphore, #tpu.memory_space<semaphore_mem>>) src(%dma_wait3A_367 : memref<2048xf32, #tpu.memory_space<hbm>>) dst(%arg16 : memref<2048xf32, #tpu.memory_space<vmem>>)
          %dma_wait3A_368 = arith.constant 0 : i32
          %dma_wait3A_369 = tpu.memref_slice %arg2[%dma_wait3A_368] : memref<4194304xf32, #tpu.memory_space<hbm>> -> memref<2048xf32, #tpu.memory_space<hbm>>
          %dma_wait3A_370 = arith.constant 0 : i32
          %dma_wait3A_371 = tpu.memref_slice %arg2[%dma_wait3A_370] : memref<4194304xf32, #tpu.memory_space<hbm>> -> memref<2048xf32, #tpu.memory_space<hbm>>
          tpu.wait_dma2 semaphore(%arg31 : memref<!tpu.dma_semaphore, #tpu.memory_space<semaphore_mem>>) src(%dma_wait3A_371 : memref<2048xf32, #tpu.memory_space<hbm>>) dst(%arg17 : memref<2048xf32, #tpu.memory_space<vmem>>)
          %scan3A_372 = arith.constant 0 : i32
          %scan3A_373 = arith.constant 64 : i32
          %scan3A_374 = arith.addi %scan3A_372, %scan3A_373 : i32
          %scan3A_375 = arith.constant 1 : i32
          %scan3A_376:7 = scf.for %scan3A_388 = %scan3A_372 to %scan3A_374 step %scan3A_375 iter_args(%scan3A_389 = %scan3A_297, %scan3A_390 = %scan3A_298, %scan3A_391 = %scan3A_299, %scan3A_392 = %scan3A_300, %scan3A_393 = %scan3A_301, %scan3A_394 = %scan3A_302, %scan3A_395 = %broadcast_in_dim3A_10) -> (vector<16xf32>, vector<16xf32>, vector<16xf32>, vector<16xf32>, vector<16xf32>, vector<16xi32>, vector<16xf32>)  : i32 {
            %mul3A_396 = arith.constant 2 : i32
            %mul3A_397 = arith.muli %mul3A_396, %scan3A_388 : i32
            %add3A_398 = vector.broadcast %mul3A_397 : i32 to vector<16xi32>
            %add3A_399 = arith.addi %mul3A_9, %add3A_398 : vector<16xi32>
            %add3A_400 = arith.constant 1 : i32
            %add3A_401 = vector.broadcast %add3A_400 : i32 to vector<16xi32>
            %add3A_402 = arith.addi %add3A_399, %add3A_401 : vector<16xi32>
            %gather3A_403 = tpu.vector_load_idx %arg12[%add3A_399] : memref<2048xf32, #tpu.memory_space<vmem>>[vector<16xi32>], vector<16xf32>,
            %gather3A_404 = tpu.vector_load_idx %arg13[%add3A_399] : memref<2048xf32, #tpu.memory_space<vmem>>[vector<16xi32>], vector<16xf32>,
            %gather3A_405 = tpu.vector_load_idx %arg14[%add3A_399] : memref<2048xf32, #tpu.memory_space<vmem>>[vector<16xi32>], vector<16xf32>,
            %sub3A_406 = arith.subf %gather3A_404, %gather3A_403 : vector<16xf32>
            %sub3A_407 = arith.subf %sub3A, %sub3A_406 : vector<16xf32>
            %exp3A = math.exp %sub3A_407 : vector<16xf32>
            %neg3A = arith.constant 0.000000e+00 : f32
            %neg3A_408 = vector.broadcast %neg3A : f32 to vector<16xf32>
            %neg3A_409 = arith.subf %neg3A_408, %gather3A_403 : vector<16xf32>
            %exp3A_410 = math.exp %neg3A_409 : vector<16xf32>
            %sub3A_411 = arith.constant 1.000000e+00 : f32
            %sub3A_412 = vector.broadcast %sub3A_411 : f32 to vector<16xf32>
            %sub3A_413 = arith.subf %sub3A_412, %exp3A_410 : vector<16xf32>
            %gt3A_414 = arith.cmpf ogt, %exp3A, %get3A_3 : vector<16xf32>
            %mul3A_415 = arith.mulf %sub3A_413, %exp3A : vector<16xf32>
            %jit3A = arith.constant 0.000000e+00 : f32
            %broadcast_in_dim3A_416 = vector.broadcast %jit3A : f32 to vector<16xf32>
            %select_n3A = arith.select %gt3A_414, %mul3A_415, %broadcast_in_dim3A_416 : vector<16xi1>, vector<16xf32>
            tpu.vector_store_idx %arg24[%add3A_399], %select_n3A : memref<2048xf32, #tpu.memory_space<vmem>>[vector<16xi32>], vector<16xf32>,
            %gather3A_417 = tpu.vector_load_idx %arg15[%add3A_399] : memref<2048xf32, #tpu.memory_space<vmem>>[vector<16xi32>], vector<16xf32>,
            %gather3A_418 = tpu.vector_load_idx %arg16[%add3A_399] : memref<2048xf32, #tpu.memory_space<vmem>>[vector<16xi32>], vector<16xf32>,
            %gather3A_419 = tpu.vector_load_idx %arg17[%add3A_399] : memref<2048xf32, #tpu.memory_space<vmem>>[vector<16xi32>], vector<16xf32>,
            %add3A_420 = arith.addf %scan3A_389, %select_n3A : vector<16xf32>
            %mul3A_421 = arith.mulf %select_n3A, %gather3A_405 : vector<16xf32>
            %add3A_422 = arith.addf %scan3A_390, %mul3A_421 : vector<16xf32>
            %mul3A_423 = arith.mulf %select_n3A, %gather3A_417 : vector<16xf32>
            %add3A_424 = arith.addf %scan3A_391, %mul3A_423 : vector<16xf32>
            %mul3A_425 = arith.mulf %select_n3A, %gather3A_418 : vector<16xf32>
            %add3A_426 = arith.addf %scan3A_392, %mul3A_425 : vector<16xf32>
            %mul3A_427 = arith.mulf %select_n3A, %gather3A_419 : vector<16xf32>
            %add3A_428 = arith.addf %scan3A_393, %mul3A_427 : vector<16xf32>
            %jit3A_429 = arith.constant 1 : i32
            %jit3A_430 = arith.constant 0 : i32
            %broadcast_in_dim3A_431 = vector.broadcast %jit3A_429 : i32 to vector<16xi32>
            %broadcast_in_dim3A_432 = vector.broadcast %jit3A_430 : i32 to vector<16xi32>
            %select_n3A_433 = arith.select %gt3A_414, %broadcast_in_dim3A_431, %broadcast_in_dim3A_432 : vector<16xi1>, vector<16xi32>
            %add3A_434 = arith.addi %scan3A_394, %select_n3A_433 : vector<16xi32>
            %gather3A_435 = tpu.vector_load_idx %arg12[%add3A_402] : memref<2048xf32, #tpu.memory_space<vmem>>[vector<16xi32>], vector<16xf32>,
            %gather3A_436 = tpu.vector_load_idx %arg13[%add3A_402] : memref<2048xf32, #tpu.memory_space<vmem>>[vector<16xi32>], vector<16xf32>,
            %gather3A_437 = tpu.vector_load_idx %arg14[%add3A_402] : memref<2048xf32, #tpu.memory_space<vmem>>[vector<16xi32>], vector<16xf32>,
            %sub3A_438 = arith.subf %gather3A_436, %gather3A_435 : vector<16xf32>
            %sub3A_439 = arith.subf %sub3A, %sub3A_438 : vector<16xf32>
            %exp3A_440 = math.exp %sub3A_439 : vector<16xf32>
            %neg3A_441 = arith.constant 0.000000e+00 : f32
            %neg3A_442 = vector.broadcast %neg3A_441 : f32 to vector<16xf32>
            %neg3A_443 = arith.subf %neg3A_442, %gather3A_435 : vector<16xf32>
            %exp3A_444 = math.exp %neg3A_443 : vector<16xf32>
            %sub3A_445 = arith.constant 1.000000e+00 : f32
            %sub3A_446 = vector.broadcast %sub3A_445 : f32 to vector<16xf32>
            %sub3A_447 = arith.subf %sub3A_446, %exp3A_444 : vector<16xf32>
            %gt3A_448 = arith.cmpf ogt, %exp3A_440, %get3A_3 : vector<16xf32>
            %mul3A_449 = arith.mulf %sub3A_447, %exp3A_440 : vector<16xf32>
            %jit3A_450 = arith.constant 0.000000e+00 : f32
            %broadcast_in_dim3A_451 = vector.broadcast %jit3A_450 : f32 to vector<16xf32>
            %select_n3A_452 = arith.select %gt3A_448, %mul3A_449, %broadcast_in_dim3A_451 : vector<16xi1>, vector<16xf32>
            tpu.vector_store_idx %arg24[%add3A_402], %select_n3A_452 : memref<2048xf32, #tpu.memory_space<vmem>>[vector<16xi32>], vector<16xf32>,
            %gather3A_453 = tpu.vector_load_idx %arg15[%add3A_402] : memref<2048xf32, #tpu.memory_space<vmem>>[vector<16xi32>], vector<16xf32>,
            %gather3A_454 = tpu.vector_load_idx %arg16[%add3A_402] : memref<2048xf32, #tpu.memory_space<vmem>>[vector<16xi32>], vector<16xf32>,
            %gather3A_455 = tpu.vector_load_idx %arg17[%add3A_402] : memref<2048xf32, #tpu.memory_space<vmem>>[vector<16xi32>], vector<16xf32>,
            %add3A_456 = arith.addf %add3A_420, %select_n3A_452 : vector<16xf32>
            %mul3A_457 = arith.mulf %select_n3A_452, %gather3A_437 : vector<16xf32>
            %add3A_458 = arith.addf %add3A_422, %mul3A_457 : vector<16xf32>
            %mul3A_459 = arith.mulf %select_n3A_452, %gather3A_453 : vector<16xf32>
            %add3A_460 = arith.addf %add3A_424, %mul3A_459 : vector<16xf32>
            %mul3A_461 = arith.mulf %select_n3A_452, %gather3A_454 : vector<16xf32>
            %add3A_462 = arith.addf %add3A_426, %mul3A_461 : vector<16xf32>
            %mul3A_463 = arith.mulf %select_n3A_452, %gather3A_455 : vector<16xf32>
            %add3A_464 = arith.addf %add3A_428, %mul3A_463 : vector<16xf32>
            %jit3A_465 = arith.constant 1 : i32
            %jit3A_466 = arith.constant 0 : i32
            %broadcast_in_dim3A_467 = vector.broadcast %jit3A_465 : i32 to vector<16xi32>
            %broadcast_in_dim3A_468 = vector.broadcast %jit3A_466 : i32 to vector<16xi32>
            %select_n3A_469 = arith.select %gt3A_448, %broadcast_in_dim3A_467, %broadcast_in_dim3A_468 : vector<16xi1>, vector<16xi32>
            %add3A_470 = arith.addi %add3A_434, %select_n3A_469 : vector<16xi32>
            scf.yield %add3A_456, %add3A_458, %add3A_460, %add3A_462, %add3A_464, %add3A_470, %exp3A_440 : vector<16xf32>, vector<16xf32>, vector<16xf32>, vector<16xf32>, vector<16xf32>, vector<16xi32>, vector<16xf32>
          }
          %scan3A_377 = arith.constant 64 : i32
          %mul3A_378 = arith.constant 1048576 : i32
          %mul3A_379 = arith.muli %scan3A_296, %mul3A_378 : i32
          %add3A_380 = arith.addi %mul3A_379, %mul3A_145 : i32
          %dma_start3A_381 = tpu.memref_slice %arg11[%add3A_380] : memref<4194304xf32, #tpu.memory_space<hbm>> -> memref<2048xf32, #tpu.memory_space<hbm>>
          %dma_start3A_382 = tpu.memref_slice %arg11[%add3A_380] : memref<4194304xf32, #tpu.memory_space<hbm>> -> memref<2048xf32, #tpu.memory_space<hbm>>
          tpu.enqueue_dma source(%arg24 : memref<2048xf32, #tpu.memory_space<vmem>>) target(%dma_start3A_382 : memref<2048xf32, #tpu.memory_space<hbm>>) target_semaphore(%arg33 : memref<!tpu.dma_semaphore, #tpu.memory_space<semaphore_mem>>)
          %reduce_max3A_383 = arith.constant true
          %reduce_max3A_384 = vector.broadcast %reduce_max3A_383 : i1 to vector<16xi1>
          %reduce_max3A_385 = tpu.scan <max>, %scan3A_376#6 masked %reduce_max3A_384 : vector<16xf32>, vector<16xi1> -> vector<16xf32>
          %reduce_max3A_386 = vector.extract %reduce_max3A_385[15] : f32 from vector<16xf32>
          %gt3A_387 = arith.cmpf ogt, %reduce_max3A_386, %reduce_max3A_6 : f32
          scf.yield %scan3A_376#0, %scan3A_376#1, %scan3A_376#2, %scan3A_376#3, %scan3A_376#4, %scan3A_376#5, %gt3A_387, %scan3A_304 : vector<16xf32>, vector<16xf32>, vector<16xf32>, vector<16xf32>, vector<16xf32>, vector<16xi32>, i1, i32
        } else {
          %mul3A_310 = arith.constant 1048576 : i32
          %mul3A_311 = arith.muli %scan3A_296, %mul3A_310 : i32
          %add3A_312 = arith.addi %mul3A_311, %mul3A_145 : i32
          %dma_start3A_313 = tpu.memref_slice %arg11[%add3A_312] : memref<4194304xf32, #tpu.memory_space<hbm>> -> memref<2048xf32, #tpu.memory_space<hbm>>
          %dma_start3A_314 = tpu.memref_slice %arg11[%add3A_312] : memref<4194304xf32, #tpu.memory_space<hbm>> -> memref<2048xf32, #tpu.memory_space<hbm>>
          tpu.enqueue_dma source(%arg25 : memref<2048xf32, #tpu.memory_space<vmem>>) target(%dma_start3A_314 : memref<2048xf32, #tpu.memory_space<hbm>>) target_semaphore(%arg34 : memref<!tpu.dma_semaphore, #tpu.memory_space<semaphore_mem>>)
          %add3A_315 = arith.constant 1 : i32
          %add3A_316 = arith.addi %scan3A_304, %add3A_315 : i32
          %cond3A_317 = arith.constant false
          scf.yield %scan3A_297, %scan3A_298, %scan3A_299, %scan3A_300, %scan3A_301, %scan3A_302, %cond3A_317, %add3A_316 : vector<16xf32>, vector<16xf32>, vector<16xf32>, vector<16xf32>, vector<16xf32>, vector<16xi32>, i1, i32
        }
        scf.yield %cond3A_309#0, %cond3A_309#1, %cond3A_309#2, %cond3A_309#3, %cond3A_309#4, %cond3A_309#5, %cond3A_309#6, %cond3A_309#7 : vector<16xf32>, vector<16xf32>, vector<16xf32>, vector<16xf32>, vector<16xf32>, vector<16xi32>, i1, i32
      }
      %scan3A_164 = arith.constant 3 : i32
      %mul3A_165 = arith.constant 16 : i32
      %mul3A_166 = arith.muli %mul3A_83, %mul3A_165 : i32
      %swap3A_167 = arith.index_cast %mul3A_166 : i32 to index
      %swap3A_168 = tpu.vector_load %arg27[%swap3A_167] {strides = array<i32>} : memref<256xf32, #tpu.memory_space<vmem>>, vector<16xf32>,
      tpu.vector_store %arg27[%swap3A_167], %scan3A_163#0 {strides = array<i32>} : memref<256xf32, #tpu.memory_space<vmem>>, vector<16xf32>,
      %swap3A_169 = arith.index_cast %mul3A_166 : i32 to index
      %swap3A_170 = tpu.vector_load %arg28[%swap3A_169] {strides = array<i32>} : memref<256xf32, #tpu.memory_space<vmem>>, vector<16xf32>,
      tpu.vector_store %arg28[%swap3A_169], %scan3A_163#1 {strides = array<i32>} : memref<256xf32, #tpu.memory_space<vmem>>, vector<16xf32>,
      %mul3A_171 = arith.constant 3 : i32
      %mul3A_172 = arith.muli %mul3A_171, %mul3A_166 : i32
      %mul3A_173 = arith.constant 3 : i32
      %mul3A_174 = vector.broadcast %mul3A_173 : i32 to vector<16xi32>
      %mul3A_175 = arith.muli %iota3A, %mul3A_174 : vector<16xi32>
      %add3A_176 = vector.broadcast %mul3A_172 : i32 to vector<16xi32>
      %add3A_177 = arith.addi %add3A_176, %mul3A_175 : vector<16xi32>
      tpu.vector_store_idx %arg29[%add3A_177], %scan3A_163#2 : memref<768xf32, #tpu.memory_space<vmem>>[vector<16xi32>], vector<16xf32>,
      %mul3A_178 = arith.constant 3 : i32
      %mul3A_179 = arith.muli %mul3A_178, %mul3A_166 : i32
      %mul3A_180 = arith.constant 3 : i32
      %mul3A_181 = vector.broadcast %mul3A_180 : i32 to vector<16xi32>
      %mul3A_182 = arith.muli %iota3A, %mul3A_181 : vector<16xi32>
      %add3A_183 = vector.broadcast %mul3A_179 : i32 to vector<16xi32>
      %add3A_184 = arith.addi %add3A_183, %mul3A_182 : vector<16xi32>
      %add3A_185 = arith.constant 1 : i32
      %add3A_186 = vector.broadcast %add3A_185 : i32 to vector<16xi32>
      %add3A_187 = arith.addi %add3A_184, %add3A_186 : vector<16xi32>
      tpu.vector_store_idx %arg29[%add3A_187], %scan3A_163#3 : memref<768xf32, #tpu.memory_space<vmem>>[vector<16xi32>], vector<16xf32>,
      %mul3A_188 = arith.constant 3 : i32
      %mul3A_189 = arith.muli %mul3A_188, %mul3A_166 : i32
      %mul3A_190 = arith.constant 3 : i32
      %mul3A_191 = vector.broadcast %mul3A_190 : i32 to vector<16xi32>
      %mul3A_192 = arith.muli %iota3A, %mul3A_191 : vector<16xi32>
      %add3A_193 = vector.broadcast %mul3A_189 : i32 to vector<16xi32>
      %add3A_194 = arith.addi %add3A_193, %mul3A_192 : vector<16xi32>
      %add3A_195 = arith.constant 2 : i32
      %add3A_196 = vector.broadcast %add3A_195 : i32 to vector<16xi32>
      %add3A_197 = arith.addi %add3A_194, %add3A_196 : vector<16xi32>
      tpu.vector_store_idx %arg29[%add3A_197], %scan3A_163#4 : memref<768xf32, #tpu.memory_space<vmem>>[vector<16xi32>], vector<16xf32>,
      %dma_wait3A_198 = arith.constant 0 : i32
      %dma_wait3A_199 = tpu.memref_slice %arg11[%dma_wait3A_198] : memref<4194304xf32, #tpu.memory_space<hbm>> -> memref<2048xf32, #tpu.memory_space<hbm>>
      %dma_wait3A_200 = arith.constant 0 : i32
      %dma_wait3A_201 = tpu.memref_slice %arg11[%dma_wait3A_200] : memref<4194304xf32, #tpu.memory_space<hbm>> -> memref<2048xf32, #tpu.memory_space<hbm>>
      tpu.wait_dma2 semaphore(%arg33 : memref<!tpu.dma_semaphore, #tpu.memory_space<semaphore_mem>>) src(%dma_wait3A_201 : memref<2048xf32, #tpu.memory_space<hbm>>) dst(%arg24 : memref<2048xf32, #tpu.memory_space<vmem>>)
      %add3A_202 = arith.addi %scan3A_80, %scan3A_163#5 : vector<16xi32>
      %dma_wait3A_203 = arith.constant 0 : i32
      %dma_wait3A_204 = tpu.memref_slice %arg2[%dma_wait3A_203] : memref<4194304xf32, #tpu.memory_space<hbm>> -> memref<2048xf32, #tpu.memory_space<hbm>>
      %dma_wait3A_205 = arith.constant 0 : i32
      %dma_wait3A_206 = tpu.memref_slice %arg2[%dma_wait3A_205] : memref<4194304xf32, #tpu.memory_space<hbm>> -> memref<2048xf32, #tpu.memory_space<hbm>>
      tpu.wait_dma2 semaphore(%arg32 : memref<!tpu.dma_semaphore, #tpu.memory_space<semaphore_mem>>) src(%dma_wait3A_206 : memref<2048xf32, #tpu.memory_space<hbm>>) dst(%arg18 : memref<2048xf32, #tpu.memory_space<vmem>>)
      %dma_wait3A_207 = arith.constant 0 : i32
      %dma_wait3A_208 = tpu.memref_slice %arg2[%dma_wait3A_207] : memref<4194304xf32, #tpu.memory_space<hbm>> -> memref<2048xf32, #tpu.memory_space<hbm>>
      %dma_wait3A_209 = arith.constant 0 : i32
      %dma_wait3A_210 = tpu.memref_slice %arg2[%dma_wait3A_209] : memref<4194304xf32, #tpu.memory_space<hbm>> -> memref<2048xf32, #tpu.memory_space<hbm>>
      tpu.wait_dma2 semaphore(%arg32 : memref<!tpu.dma_semaphore, #tpu.memory_space<semaphore_mem>>) src(%dma_wait3A_210 : memref<2048xf32, #tpu.memory_space<hbm>>) dst(%arg19 : memref<2048xf32, #tpu.memory_space<vmem>>)
      %dma_wait3A_211 = arith.constant 0 : i32
      %dma_wait3A_212 = tpu.memref_slice %arg2[%dma_wait3A_211] : memref<4194304xf32, #tpu.memory_space<hbm>> -> memref<2048xf32, #tpu.memory_space<hbm>>
      %dma_wait3A_213 = arith.constant 0 : i32
      %dma_wait3A_214 = tpu.memref_slice %arg2[%dma_wait3A_213] : memref<4194304xf32, #tpu.memory_space<hbm>> -> memref<2048xf32, #tpu.memory_space<hbm>>
      tpu.wait_dma2 semaphore(%arg32 : memref<!tpu.dma_semaphore, #tpu.memory_space<semaphore_mem>>) src(%dma_wait3A_214 : memref<2048xf32, #tpu.memory_space<hbm>>) dst(%arg20 : memref<2048xf32, #tpu.memory_space<vmem>>)
      %dma_wait3A_215 = arith.constant 0 : i32
      %dma_wait3A_216 = tpu.memref_slice %arg2[%dma_wait3A_215] : memref<4194304xf32, #tpu.memory_space<hbm>> -> memref<2048xf32, #tpu.memory_space<hbm>>
      %dma_wait3A_217 = arith.constant 0 : i32
      %dma_wait3A_218 = tpu.memref_slice %arg2[%dma_wait3A_217] : memref<4194304xf32, #tpu.memory_space<hbm>> -> memref<2048xf32, #tpu.memory_space<hbm>>
      tpu.wait_dma2 semaphore(%arg32 : memref<!tpu.dma_semaphore, #tpu.memory_space<semaphore_mem>>) src(%dma_wait3A_218 : memref<2048xf32, #tpu.memory_space<hbm>>) dst(%arg21 : memref<2048xf32, #tpu.memory_space<vmem>>)
      %dma_wait3A_219 = arith.constant 0 : i32
      %dma_wait3A_220 = tpu.memref_slice %arg2[%dma_wait3A_219] : memref<4194304xf32, #tpu.memory_space<hbm>> -> memref<2048xf32, #tpu.memory_space<hbm>>
      %dma_wait3A_221 = arith.constant 0 : i32
      %dma_wait3A_222 = tpu.memref_slice %arg2[%dma_wait3A_221] : memref<4194304xf32, #tpu.memory_space<hbm>> -> memref<2048xf32, #tpu.memory_space<hbm>>
      tpu.wait_dma2 semaphore(%arg32 : memref<!tpu.dma_semaphore, #tpu.memory_space<semaphore_mem>>) src(%dma_wait3A_222 : memref<2048xf32, #tpu.memory_space<hbm>>) dst(%arg22 : memref<2048xf32, #tpu.memory_space<vmem>>)
      %dma_wait3A_223 = arith.constant 0 : i32
      %dma_wait3A_224 = tpu.memref_slice %arg2[%dma_wait3A_223] : memref<4194304xf32, #tpu.memory_space<hbm>> -> memref<2048xf32, #tpu.memory_space<hbm>>
      %dma_wait3A_225 = arith.constant 0 : i32
      %dma_wait3A_226 = tpu.memref_slice %arg2[%dma_wait3A_225] : memref<4194304xf32, #tpu.memory_space<hbm>> -> memref<2048xf32, #tpu.memory_space<hbm>>
      tpu.wait_dma2 semaphore(%arg32 : memref<!tpu.dma_semaphore, #tpu.memory_space<semaphore_mem>>) src(%dma_wait3A_226 : memref<2048xf32, #tpu.memory_space<hbm>>) dst(%arg23 : memref<2048xf32, #tpu.memory_space<vmem>>)
      %add3A_227 = arith.constant 1 : i32
      %add3A_228 = arith.addi %scan3A_79, %add3A_227 : i32
      %lt3A = arith.constant 8 : i32
      %lt3A_229 = arith.cmpi slt, %add3A_228, %lt3A : i32
      %convert_element_type3A = arith.extui %lt3A_229 : i1 to i32
      %cond3A = arith.constant 0 : i32
      %cond3A_230 = arith.cmpi ne, %convert_element_type3A, %cond3A : i32
      scf.if %cond3A_230 {
        %add3A_296 = arith.constant 2 : i32
        %add3A_297 = arith.addi %mul3A_83, %add3A_296 : i32
        %mul3A_298 = arith.constant 16 : i32
        %mul3A_299 = arith.muli %add3A_297, %mul3A_298 : i32
        %add3A_300 = arith.addi %mul3A_2, %mul3A_299 : i32
        %mul3A_301 = arith.constant 128 : i32
        %mul3A_302 = arith.muli %add3A_300, %mul3A_301 : i32
        %add3A_303 = arith.constant 0 : i32
        %add3A_304 = arith.addi %add3A_303, %mul3A_302 : i32
        %dma_start3A_305 = tpu.memref_slice %arg2[%add3A_304] : memref<4194304xf32, #tpu.memory_space<hbm>> -> memref<2048xf32, #tpu.memory_space<hbm>>
        %dma_start3A_306 = tpu.memref_slice %arg2[%add3A_304] : memref<4194304xf32, #tpu.memory_space<hbm>> -> memref<2048xf32, #tpu.memory_space<hbm>>
        tpu.enqueue_dma source(%dma_start3A_306 : memref<2048xf32, #tpu.memory_space<hbm>>) target(%arg12 : memref<2048xf32, #tpu.memory_space<vmem>>) target_semaphore(%arg31 : memref<!tpu.dma_semaphore, #tpu.memory_space<semaphore_mem>>)
        %add3A_307 = arith.constant 0 : i32
        %add3A_308 = arith.addi %add3A_307, %mul3A_302 : i32
        %dma_start3A_309 = tpu.memref_slice %arg3[%add3A_308] : memref<4194304xf32, #tpu.memory_space<hbm>> -> memref<2048xf32, #tpu.memory_space<hbm>>
        %dma_start3A_310 = tpu.memref_slice %arg3[%add3A_308] : memref<4194304xf32, #tpu.memory_space<hbm>> -> memref<2048xf32, #tpu.memory_space<hbm>>
        tpu.enqueue_dma source(%dma_start3A_310 : memref<2048xf32, #tpu.memory_space<hbm>>) target(%arg13 : memref<2048xf32, #tpu.memory_space<vmem>>) target_semaphore(%arg31 : memref<!tpu.dma_semaphore, #tpu.memory_space<semaphore_mem>>)
        %add3A_311 = arith.constant 0 : i32
        %add3A_312 = arith.addi %add3A_311, %mul3A_302 : i32
        %dma_start3A_313 = tpu.memref_slice %arg4[%add3A_312] : memref<4194304xf32, #tpu.memory_space<hbm>> -> memref<2048xf32, #tpu.memory_space<hbm>>
        %dma_start3A_314 = tpu.memref_slice %arg4[%add3A_312] : memref<4194304xf32, #tpu.memory_space<hbm>> -> memref<2048xf32, #tpu.memory_space<hbm>>
        tpu.enqueue_dma source(%dma_start3A_314 : memref<2048xf32, #tpu.memory_space<hbm>>) target(%arg14 : memref<2048xf32, #tpu.memory_space<vmem>>) target_semaphore(%arg31 : memref<!tpu.dma_semaphore, #tpu.memory_space<semaphore_mem>>)
        %add3A_315 = arith.constant 0 : i32
        %add3A_316 = arith.addi %add3A_315, %mul3A_302 : i32
        %dma_start3A_317 = tpu.memref_slice %arg5[%add3A_316] : memref<12582912xf32, #tpu.memory_space<hbm>> -> memref<2048xf32, #tpu.memory_space<hbm>>
        %dma_start3A_318 = tpu.memref_slice %arg5[%add3A_316] : memref<12582912xf32, #tpu.memory_space<hbm>> -> memref<2048xf32, #tpu.memory_space<hbm>>
        tpu.enqueue_dma source(%dma_start3A_318 : memref<2048xf32, #tpu.memory_space<hbm>>) target(%arg15 : memref<2048xf32, #tpu.memory_space<vmem>>) target_semaphore(%arg31 : memref<!tpu.dma_semaphore, #tpu.memory_space<semaphore_mem>>)
        %add3A_319 = arith.constant 4194304 : i32
        %add3A_320 = arith.addi %add3A_319, %mul3A_302 : i32
        %dma_start3A_321 = tpu.memref_slice %arg5[%add3A_320] : memref<12582912xf32, #tpu.memory_space<hbm>> -> memref<2048xf32, #tpu.memory_space<hbm>>
        %dma_start3A_322 = tpu.memref_slice %arg5[%add3A_320] : memref<12582912xf32, #tpu.memory_space<hbm>> -> memref<2048xf32, #tpu.memory_space<hbm>>
        tpu.enqueue_dma source(%dma_start3A_322 : memref<2048xf32, #tpu.memory_space<hbm>>) target(%arg16 : memref<2048xf32, #tpu.memory_space<vmem>>) target_semaphore(%arg31 : memref<!tpu.dma_semaphore, #tpu.memory_space<semaphore_mem>>)
        %add3A_323 = arith.constant 8388608 : i32
        %add3A_324 = arith.addi %add3A_323, %mul3A_302 : i32
        %dma_start3A_325 = tpu.memref_slice %arg5[%add3A_324] : memref<12582912xf32, #tpu.memory_space<hbm>> -> memref<2048xf32, #tpu.memory_space<hbm>>
        %dma_start3A_326 = tpu.memref_slice %arg5[%add3A_324] : memref<12582912xf32, #tpu.memory_space<hbm>> -> memref<2048xf32, #tpu.memory_space<hbm>>
        tpu.enqueue_dma source(%dma_start3A_326 : memref<2048xf32, #tpu.memory_space<hbm>>) target(%arg17 : memref<2048xf32, #tpu.memory_space<vmem>>) target_semaphore(%arg31 : memref<!tpu.dma_semaphore, #tpu.memory_space<semaphore_mem>>)
      } else {
      }
      %mul3A_231 = arith.constant 16 : i32
      %mul3A_232 = arith.muli %add3A_87, %mul3A_231 : i32
      %add3A_233 = arith.addi %mul3A_2, %mul3A_232 : i32
      %mul3A_234 = arith.constant 128 : i32
      %mul3A_235 = arith.muli %add3A_233, %mul3A_234 : i32
      %gather3A_236 = tpu.vector_load_idx %arg18[%mul3A_9] : memref<2048xf32, #tpu.memory_space<vmem>>[vector<16xi32>], vector<16xf32>,
      %gather3A_237 = tpu.vector_load_idx %arg19[%mul3A_9] : memref<2048xf32, #tpu.memory_space<vmem>>[vector<16xi32>], vector<16xf32>,
      %sub3A_238 = arith.subf %gather3A_237, %gather3A_236 : vector<16xf32>
      %scan3A_239 = arith.constant 0 : i32
      %scan3A_240 = arith.constant 64 : i32
      %scan3A_241 = arith.addi %scan3A_239, %scan3A_240 : i32
      %scan3A_242 = arith.constant 1 : i32
      %scan3A_243:7 = scf.for %scan3A_296 = %scan3A_239 to %scan3A_241 step %scan3A_242 iter_args(%scan3A_297 = %broadcast_in_dim3A_10, %scan3A_298 = %broadcast_in_dim3A_10, %scan3A_299 = %broadcast_in_dim3A_10, %scan3A_300 = %broadcast_in_dim3A_10, %scan3A_301 = %broadcast_in_dim3A_10, %scan3A_302 = %broadcast_in_dim3A_12, %scan3A_303 = %broadcast_in_dim3A_10) -> (vector<16xf32>, vector<16xf32>, vector<16xf32>, vector<16xf32>, vector<16xf32>, vector<16xi32>, vector<16xf32>)  : i32 {
        %mul3A_304 = arith.constant 2 : i32
        %mul3A_305 = arith.muli %mul3A_304, %scan3A_296 : i32
        %add3A_306 = vector.broadcast %mul3A_305 : i32 to vector<16xi32>
        %add3A_307 = arith.addi %mul3A_9, %add3A_306 : vector<16xi32>
        %add3A_308 = arith.constant 1 : i32
        %add3A_309 = vector.broadcast %add3A_308 : i32 to vector<16xi32>
        %add3A_310 = arith.addi %add3A_307, %add3A_309 : vector<16xi32>
        %gather3A_311 = tpu.vector_load_idx %arg18[%add3A_307] : memref<2048xf32, #tpu.memory_space<vmem>>[vector<16xi32>], vector<16xf32>,
        %gather3A_312 = tpu.vector_load_idx %arg19[%add3A_307] : memref<2048xf32, #tpu.memory_space<vmem>>[vector<16xi32>], vector<16xf32>,
        %gather3A_313 = tpu.vector_load_idx %arg20[%add3A_307] : memref<2048xf32, #tpu.memory_space<vmem>>[vector<16xi32>], vector<16xf32>,
        %sub3A_314 = arith.subf %gather3A_312, %gather3A_311 : vector<16xf32>
        %sub3A_315 = arith.subf %sub3A_238, %sub3A_314 : vector<16xf32>
        %exp3A = math.exp %sub3A_315 : vector<16xf32>
        %neg3A = arith.constant 0.000000e+00 : f32
        %neg3A_316 = vector.broadcast %neg3A : f32 to vector<16xf32>
        %neg3A_317 = arith.subf %neg3A_316, %gather3A_311 : vector<16xf32>
        %exp3A_318 = math.exp %neg3A_317 : vector<16xf32>
        %sub3A_319 = arith.constant 1.000000e+00 : f32
        %sub3A_320 = vector.broadcast %sub3A_319 : f32 to vector<16xf32>
        %sub3A_321 = arith.subf %sub3A_320, %exp3A_318 : vector<16xf32>
        %gt3A_322 = arith.cmpf ogt, %exp3A, %get3A_3 : vector<16xf32>
        %mul3A_323 = arith.mulf %sub3A_321, %exp3A : vector<16xf32>
        %jit3A = arith.constant 0.000000e+00 : f32
        %broadcast_in_dim3A_324 = vector.broadcast %jit3A : f32 to vector<16xf32>
        %select_n3A = arith.select %gt3A_322, %mul3A_323, %broadcast_in_dim3A_324 : vector<16xi1>, vector<16xf32>
        tpu.vector_store_idx %arg24[%add3A_307], %select_n3A : memref<2048xf32, #tpu.memory_space<vmem>>[vector<16xi32>], vector<16xf32>,
        %gather3A_325 = tpu.vector_load_idx %arg21[%add3A_307] : memref<2048xf32, #tpu.memory_space<vmem>>[vector<16xi32>], vector<16xf32>,
        %gather3A_326 = tpu.vector_load_idx %arg22[%add3A_307] : memref<2048xf32, #tpu.memory_space<vmem>>[vector<16xi32>], vector<16xf32>,
        %gather3A_327 = tpu.vector_load_idx %arg23[%add3A_307] : memref<2048xf32, #tpu.memory_space<vmem>>[vector<16xi32>], vector<16xf32>,
        %add3A_328 = arith.addf %scan3A_297, %select_n3A : vector<16xf32>
        %mul3A_329 = arith.mulf %select_n3A, %gather3A_313 : vector<16xf32>
        %add3A_330 = arith.addf %scan3A_298, %mul3A_329 : vector<16xf32>
        %mul3A_331 = arith.mulf %select_n3A, %gather3A_325 : vector<16xf32>
        %add3A_332 = arith.addf %scan3A_299, %mul3A_331 : vector<16xf32>
        %mul3A_333 = arith.mulf %select_n3A, %gather3A_326 : vector<16xf32>
        %add3A_334 = arith.addf %scan3A_300, %mul3A_333 : vector<16xf32>
        %mul3A_335 = arith.mulf %select_n3A, %gather3A_327 : vector<16xf32>
        %add3A_336 = arith.addf %scan3A_301, %mul3A_335 : vector<16xf32>
        %jit3A_337 = arith.constant 1 : i32
        %jit3A_338 = arith.constant 0 : i32
        %broadcast_in_dim3A_339 = vector.broadcast %jit3A_337 : i32 to vector<16xi32>
        %broadcast_in_dim3A_340 = vector.broadcast %jit3A_338 : i32 to vector<16xi32>
        %select_n3A_341 = arith.select %gt3A_322, %broadcast_in_dim3A_339, %broadcast_in_dim3A_340 : vector<16xi1>, vector<16xi32>
        %add3A_342 = arith.addi %scan3A_302, %select_n3A_341 : vector<16xi32>
        %gather3A_343 = tpu.vector_load_idx %arg18[%add3A_310] : memref<2048xf32, #tpu.memory_space<vmem>>[vector<16xi32>], vector<16xf32>,
        %gather3A_344 = tpu.vector_load_idx %arg19[%add3A_310] : memref<2048xf32, #tpu.memory_space<vmem>>[vector<16xi32>], vector<16xf32>,
        %gather3A_345 = tpu.vector_load_idx %arg20[%add3A_310] : memref<2048xf32, #tpu.memory_space<vmem>>[vector<16xi32>], vector<16xf32>,
        %sub3A_346 = arith.subf %gather3A_344, %gather3A_343 : vector<16xf32>
        %sub3A_347 = arith.subf %sub3A_238, %sub3A_346 : vector<16xf32>
        %exp3A_348 = math.exp %sub3A_347 : vector<16xf32>
        %neg3A_349 = arith.constant 0.000000e+00 : f32
        %neg3A_350 = vector.broadcast %neg3A_349 : f32 to vector<16xf32>
        %neg3A_351 = arith.subf %neg3A_350, %gather3A_343 : vector<16xf32>
        %exp3A_352 = math.exp %neg3A_351 : vector<16xf32>
        %sub3A_353 = arith.constant 1.000000e+00 : f32
        %sub3A_354 = vector.broadcast %sub3A_353 : f32 to vector<16xf32>
        %sub3A_355 = arith.subf %sub3A_354, %exp3A_352 : vector<16xf32>
        %gt3A_356 = arith.cmpf ogt, %exp3A_348, %get3A_3 : vector<16xf32>
        %mul3A_357 = arith.mulf %sub3A_355, %exp3A_348 : vector<16xf32>
        %jit3A_358 = arith.constant 0.000000e+00 : f32
        %broadcast_in_dim3A_359 = vector.broadcast %jit3A_358 : f32 to vector<16xf32>
        %select_n3A_360 = arith.select %gt3A_356, %mul3A_357, %broadcast_in_dim3A_359 : vector<16xi1>, vector<16xf32>
        tpu.vector_store_idx %arg24[%add3A_310], %select_n3A_360 : memref<2048xf32, #tpu.memory_space<vmem>>[vector<16xi32>], vector<16xf32>,
        %gather3A_361 = tpu.vector_load_idx %arg21[%add3A_310] : memref<2048xf32, #tpu.memory_space<vmem>>[vector<16xi32>], vector<16xf32>,
        %gather3A_362 = tpu.vector_load_idx %arg22[%add3A_310] : memref<2048xf32, #tpu.memory_space<vmem>>[vector<16xi32>], vector<16xf32>,
        %gather3A_363 = tpu.vector_load_idx %arg23[%add3A_310] : memref<2048xf32, #tpu.memory_space<vmem>>[vector<16xi32>], vector<16xf32>,
        %add3A_364 = arith.addf %add3A_328, %select_n3A_360 : vector<16xf32>
        %mul3A_365 = arith.mulf %select_n3A_360, %gather3A_345 : vector<16xf32>
        %add3A_366 = arith.addf %add3A_330, %mul3A_365 : vector<16xf32>
        %mul3A_367 = arith.mulf %select_n3A_360, %gather3A_361 : vector<16xf32>
        %add3A_368 = arith.addf %add3A_332, %mul3A_367 : vector<16xf32>
        %mul3A_369 = arith.mulf %select_n3A_360, %gather3A_362 : vector<16xf32>
        %add3A_370 = arith.addf %add3A_334, %mul3A_369 : vector<16xf32>
        %mul3A_371 = arith.mulf %select_n3A_360, %gather3A_363 : vector<16xf32>
        %add3A_372 = arith.addf %add3A_336, %mul3A_371 : vector<16xf32>
        %jit3A_373 = arith.constant 1 : i32
        %jit3A_374 = arith.constant 0 : i32
        %broadcast_in_dim3A_375 = vector.broadcast %jit3A_373 : i32 to vector<16xi32>
        %broadcast_in_dim3A_376 = vector.broadcast %jit3A_374 : i32 to vector<16xi32>
        %select_n3A_377 = arith.select %gt3A_356, %broadcast_in_dim3A_375, %broadcast_in_dim3A_376 : vector<16xi1>, vector<16xi32>
        %add3A_378 = arith.addi %add3A_342, %select_n3A_377 : vector<16xi32>
        scf.yield %add3A_364, %add3A_366, %add3A_368, %add3A_370, %add3A_372, %add3A_378, %exp3A_348 : vector<16xf32>, vector<16xf32>, vector<16xf32>, vector<16xf32>, vector<16xf32>, vector<16xi32>, vector<16xf32>
      }
      %scan3A_244 = arith.constant 64 : i32
      %dma_start3A_245 = tpu.memref_slice %arg11[%mul3A_235] : memref<4194304xf32, #tpu.memory_space<hbm>> -> memref<2048xf32, #tpu.memory_space<hbm>>
      %dma_start3A_246 = tpu.memref_slice %arg11[%mul3A_235] : memref<4194304xf32, #tpu.memory_space<hbm>> -> memref<2048xf32, #tpu.memory_space<hbm>>
      tpu.enqueue_dma source(%arg24 : memref<2048xf32, #tpu.memory_space<vmem>>) target(%dma_start3A_246 : memref<2048xf32, #tpu.memory_space<hbm>>) target_semaphore(%arg33 : memref<!tpu.dma_semaphore, #tpu.memory_space<semaphore_mem>>)
      %reduce_max3A_247 = arith.constant true
      %reduce_max3A_248 = vector.broadcast %reduce_max3A_247 : i1 to vector<16xi1>
      %reduce_max3A_249 = tpu.scan <max>, %scan3A_243#6 masked %reduce_max3A_248 : vector<16xf32>, vector<16xi1> -> vector<16xf32>
      %reduce_max3A_250 = vector.extract %reduce_max3A_249[15] : f32 from vector<16xf32>
      %gt3A_251 = arith.cmpf ogt, %reduce_max3A_250, %reduce_max3A_6 : f32
      %scan3A_252 = arith.constant 1 : i32
      %scan3A_253 = arith.constant 3 : i32
      %scan3A_254 = arith.addi %scan3A_252, %scan3A_253 : i32
      %scan3A_255 = arith.constant 1 : i32
      %scan3A_256:8 = scf.for %scan3A_296 = %scan3A_252 to %scan3A_254 step %scan3A_255 iter_args(%scan3A_297 = %scan3A_243#0, %scan3A_298 = %scan3A_243#1, %scan3A_299 = %scan3A_243#2, %scan3A_300 = %scan3A_243#3, %scan3A_301 = %scan3A_243#4, %scan3A_302 = %scan3A_243#5, %scan3A_303 = %gt3A_251, %scan3A_304 = %scan3A_163#7) -> (vector<16xf32>, vector<16xf32>, vector<16xf32>, vector<16xf32>, vector<16xf32>, vector<16xi32>, i1, i32)  : i32 {
        %convert_element_type3A_305 = arith.extui %scan3A_303 : i1 to i32
        %cond3A_306 = arith.constant 0 : i32
        %cond3A_307 = arith.constant 0 : i32
        %cond3A_308 = arith.cmpi ne, %convert_element_type3A_305, %cond3A_307 : i32
        %cond3A_309:8 = scf.if %cond3A_308 -> (vector<16xf32>, vector<16xf32>, vector<16xf32>, vector<16xf32>, vector<16xf32>, vector<16xi32>, i1, i32) {
          %dma_wait3A_310 = arith.constant 0 : i32
          %dma_wait3A_311 = tpu.memref_slice %arg11[%dma_wait3A_310] : memref<4194304xf32, #tpu.memory_space<hbm>> -> memref<2048xf32, #tpu.memory_space<hbm>>
          %dma_wait3A_312 = arith.constant 0 : i32
          %dma_wait3A_313 = tpu.memref_slice %arg11[%dma_wait3A_312] : memref<4194304xf32, #tpu.memory_space<hbm>> -> memref<2048xf32, #tpu.memory_space<hbm>>
          tpu.wait_dma2 semaphore(%arg33 : memref<!tpu.dma_semaphore, #tpu.memory_space<semaphore_mem>>) src(%dma_wait3A_313 : memref<2048xf32, #tpu.memory_space<hbm>>) dst(%arg24 : memref<2048xf32, #tpu.memory_space<vmem>>)
          %mul3A_314 = arith.constant 1048576 : i32
          %mul3A_315 = arith.muli %scan3A_296, %mul3A_314 : i32
          %add3A_316 = arith.addi %mul3A_315, %mul3A_235 : i32
          %dma_start3A_317 = tpu.memref_slice %arg2[%add3A_316] : memref<4194304xf32, #tpu.memory_space<hbm>> -> memref<2048xf32, #tpu.memory_space<hbm>>
          %dma_start3A_318 = tpu.memref_slice %arg2[%add3A_316] : memref<4194304xf32, #tpu.memory_space<hbm>> -> memref<2048xf32, #tpu.memory_space<hbm>>
          tpu.enqueue_dma source(%dma_start3A_318 : memref<2048xf32, #tpu.memory_space<hbm>>) target(%arg18 : memref<2048xf32, #tpu.memory_space<vmem>>) target_semaphore(%arg32 : memref<!tpu.dma_semaphore, #tpu.memory_space<semaphore_mem>>)
          %mul3A_319 = arith.constant 1048576 : i32
          %mul3A_320 = arith.muli %scan3A_296, %mul3A_319 : i32
          %add3A_321 = arith.addi %mul3A_320, %mul3A_235 : i32
          %dma_start3A_322 = tpu.memref_slice %arg3[%add3A_321] : memref<4194304xf32, #tpu.memory_space<hbm>> -> memref<2048xf32, #tpu.memory_space<hbm>>
          %dma_start3A_323 = tpu.memref_slice %arg3[%add3A_321] : memref<4194304xf32, #tpu.memory_space<hbm>> -> memref<2048xf32, #tpu.memory_space<hbm>>
          tpu.enqueue_dma source(%dma_start3A_323 : memref<2048xf32, #tpu.memory_space<hbm>>) target(%arg19 : memref<2048xf32, #tpu.memory_space<vmem>>) target_semaphore(%arg32 : memref<!tpu.dma_semaphore, #tpu.memory_space<semaphore_mem>>)
          %mul3A_324 = arith.constant 1048576 : i32
          %mul3A_325 = arith.muli %scan3A_296, %mul3A_324 : i32
          %add3A_326 = arith.addi %mul3A_325, %mul3A_235 : i32
          %dma_start3A_327 = tpu.memref_slice %arg4[%add3A_326] : memref<4194304xf32, #tpu.memory_space<hbm>> -> memref<2048xf32, #tpu.memory_space<hbm>>
          %dma_start3A_328 = tpu.memref_slice %arg4[%add3A_326] : memref<4194304xf32, #tpu.memory_space<hbm>> -> memref<2048xf32, #tpu.memory_space<hbm>>
          tpu.enqueue_dma source(%dma_start3A_328 : memref<2048xf32, #tpu.memory_space<hbm>>) target(%arg20 : memref<2048xf32, #tpu.memory_space<vmem>>) target_semaphore(%arg32 : memref<!tpu.dma_semaphore, #tpu.memory_space<semaphore_mem>>)
          %mul3A_329 = arith.constant 1048576 : i32
          %mul3A_330 = arith.muli %scan3A_296, %mul3A_329 : i32
          %add3A_331 = arith.addi %mul3A_330, %mul3A_235 : i32
          %dma_start3A_332 = tpu.memref_slice %arg5[%add3A_331] : memref<12582912xf32, #tpu.memory_space<hbm>> -> memref<2048xf32, #tpu.memory_space<hbm>>
          %dma_start3A_333 = tpu.memref_slice %arg5[%add3A_331] : memref<12582912xf32, #tpu.memory_space<hbm>> -> memref<2048xf32, #tpu.memory_space<hbm>>
          tpu.enqueue_dma source(%dma_start3A_333 : memref<2048xf32, #tpu.memory_space<hbm>>) target(%arg21 : memref<2048xf32, #tpu.memory_space<vmem>>) target_semaphore(%arg32 : memref<!tpu.dma_semaphore, #tpu.memory_space<semaphore_mem>>)
          %add3A_334 = arith.constant 4 : i32
          %add3A_335 = arith.addi %add3A_334, %scan3A_296 : i32
          %mul3A_336 = arith.constant 1048576 : i32
          %mul3A_337 = arith.muli %add3A_335, %mul3A_336 : i32
          %add3A_338 = arith.addi %mul3A_337, %mul3A_235 : i32
          %dma_start3A_339 = tpu.memref_slice %arg5[%add3A_338] : memref<12582912xf32, #tpu.memory_space<hbm>> -> memref<2048xf32, #tpu.memory_space<hbm>>
          %dma_start3A_340 = tpu.memref_slice %arg5[%add3A_338] : memref<12582912xf32, #tpu.memory_space<hbm>> -> memref<2048xf32, #tpu.memory_space<hbm>>
          tpu.enqueue_dma source(%dma_start3A_340 : memref<2048xf32, #tpu.memory_space<hbm>>) target(%arg22 : memref<2048xf32, #tpu.memory_space<vmem>>) target_semaphore(%arg32 : memref<!tpu.dma_semaphore, #tpu.memory_space<semaphore_mem>>)
          %add3A_341 = arith.constant 8 : i32
          %add3A_342 = arith.addi %add3A_341, %scan3A_296 : i32
          %mul3A_343 = arith.constant 1048576 : i32
          %mul3A_344 = arith.muli %add3A_342, %mul3A_343 : i32
          %add3A_345 = arith.addi %mul3A_344, %mul3A_235 : i32
          %dma_start3A_346 = tpu.memref_slice %arg5[%add3A_345] : memref<12582912xf32, #tpu.memory_space<hbm>> -> memref<2048xf32, #tpu.memory_space<hbm>>
          %dma_start3A_347 = tpu.memref_slice %arg5[%add3A_345] : memref<12582912xf32, #tpu.memory_space<hbm>> -> memref<2048xf32, #tpu.memory_space<hbm>>
          tpu.enqueue_dma source(%dma_start3A_347 : memref<2048xf32, #tpu.memory_space<hbm>>) target(%arg23 : memref<2048xf32, #tpu.memory_space<vmem>>) target_semaphore(%arg32 : memref<!tpu.dma_semaphore, #tpu.memory_space<semaphore_mem>>)
          %dma_wait3A_348 = arith.constant 0 : i32
          %dma_wait3A_349 = tpu.memref_slice %arg2[%dma_wait3A_348] : memref<4194304xf32, #tpu.memory_space<hbm>> -> memref<2048xf32, #tpu.memory_space<hbm>>
          %dma_wait3A_350 = arith.constant 0 : i32
          %dma_wait3A_351 = tpu.memref_slice %arg2[%dma_wait3A_350] : memref<4194304xf32, #tpu.memory_space<hbm>> -> memref<2048xf32, #tpu.memory_space<hbm>>
          tpu.wait_dma2 semaphore(%arg32 : memref<!tpu.dma_semaphore, #tpu.memory_space<semaphore_mem>>) src(%dma_wait3A_351 : memref<2048xf32, #tpu.memory_space<hbm>>) dst(%arg18 : memref<2048xf32, #tpu.memory_space<vmem>>)
          %dma_wait3A_352 = arith.constant 0 : i32
          %dma_wait3A_353 = tpu.memref_slice %arg2[%dma_wait3A_352] : memref<4194304xf32, #tpu.memory_space<hbm>> -> memref<2048xf32, #tpu.memory_space<hbm>>
          %dma_wait3A_354 = arith.constant 0 : i32
          %dma_wait3A_355 = tpu.memref_slice %arg2[%dma_wait3A_354] : memref<4194304xf32, #tpu.memory_space<hbm>> -> memref<2048xf32, #tpu.memory_space<hbm>>
          tpu.wait_dma2 semaphore(%arg32 : memref<!tpu.dma_semaphore, #tpu.memory_space<semaphore_mem>>) src(%dma_wait3A_355 : memref<2048xf32, #tpu.memory_space<hbm>>) dst(%arg19 : memref<2048xf32, #tpu.memory_space<vmem>>)
          %dma_wait3A_356 = arith.constant 0 : i32
          %dma_wait3A_357 = tpu.memref_slice %arg2[%dma_wait3A_356] : memref<4194304xf32, #tpu.memory_space<hbm>> -> memref<2048xf32, #tpu.memory_space<hbm>>
          %dma_wait3A_358 = arith.constant 0 : i32
          %dma_wait3A_359 = tpu.memref_slice %arg2[%dma_wait3A_358] : memref<4194304xf32, #tpu.memory_space<hbm>> -> memref<2048xf32, #tpu.memory_space<hbm>>
          tpu.wait_dma2 semaphore(%arg32 : memref<!tpu.dma_semaphore, #tpu.memory_space<semaphore_mem>>) src(%dma_wait3A_359 : memref<2048xf32, #tpu.memory_space<hbm>>) dst(%arg20 : memref<2048xf32, #tpu.memory_space<vmem>>)
          %dma_wait3A_360 = arith.constant 0 : i32
          %dma_wait3A_361 = tpu.memref_slice %arg2[%dma_wait3A_360] : memref<4194304xf32, #tpu.memory_space<hbm>> -> memref<2048xf32, #tpu.memory_space<hbm>>
          %dma_wait3A_362 = arith.constant 0 : i32
          %dma_wait3A_363 = tpu.memref_slice %arg2[%dma_wait3A_362] : memref<4194304xf32, #tpu.memory_space<hbm>> -> memref<2048xf32, #tpu.memory_space<hbm>>
          tpu.wait_dma2 semaphore(%arg32 : memref<!tpu.dma_semaphore, #tpu.memory_space<semaphore_mem>>) src(%dma_wait3A_363 : memref<2048xf32, #tpu.memory_space<hbm>>) dst(%arg21 : memref<2048xf32, #tpu.memory_space<vmem>>)
          %dma_wait3A_364 = arith.constant 0 : i32
          %dma_wait3A_365 = tpu.memref_slice %arg2[%dma_wait3A_364] : memref<4194304xf32, #tpu.memory_space<hbm>> -> memref<2048xf32, #tpu.memory_space<hbm>>
          %dma_wait3A_366 = arith.constant 0 : i32
          %dma_wait3A_367 = tpu.memref_slice %arg2[%dma_wait3A_366] : memref<4194304xf32, #tpu.memory_space<hbm>> -> memref<2048xf32, #tpu.memory_space<hbm>>
          tpu.wait_dma2 semaphore(%arg32 : memref<!tpu.dma_semaphore, #tpu.memory_space<semaphore_mem>>) src(%dma_wait3A_367 : memref<2048xf32, #tpu.memory_space<hbm>>) dst(%arg22 : memref<2048xf32, #tpu.memory_space<vmem>>)
          %dma_wait3A_368 = arith.constant 0 : i32
          %dma_wait3A_369 = tpu.memref_slice %arg2[%dma_wait3A_368] : memref<4194304xf32, #tpu.memory_space<hbm>> -> memref<2048xf32, #tpu.memory_space<hbm>>
          %dma_wait3A_370 = arith.constant 0 : i32
          %dma_wait3A_371 = tpu.memref_slice %arg2[%dma_wait3A_370] : memref<4194304xf32, #tpu.memory_space<hbm>> -> memref<2048xf32, #tpu.memory_space<hbm>>
          tpu.wait_dma2 semaphore(%arg32 : memref<!tpu.dma_semaphore, #tpu.memory_space<semaphore_mem>>) src(%dma_wait3A_371 : memref<2048xf32, #tpu.memory_space<hbm>>) dst(%arg23 : memref<2048xf32, #tpu.memory_space<vmem>>)
          %scan3A_372 = arith.constant 0 : i32
          %scan3A_373 = arith.constant 64 : i32
          %scan3A_374 = arith.addi %scan3A_372, %scan3A_373 : i32
          %scan3A_375 = arith.constant 1 : i32
          %scan3A_376:7 = scf.for %scan3A_388 = %scan3A_372 to %scan3A_374 step %scan3A_375 iter_args(%scan3A_389 = %scan3A_297, %scan3A_390 = %scan3A_298, %scan3A_391 = %scan3A_299, %scan3A_392 = %scan3A_300, %scan3A_393 = %scan3A_301, %scan3A_394 = %scan3A_302, %scan3A_395 = %broadcast_in_dim3A_10) -> (vector<16xf32>, vector<16xf32>, vector<16xf32>, vector<16xf32>, vector<16xf32>, vector<16xi32>, vector<16xf32>)  : i32 {
            %mul3A_396 = arith.constant 2 : i32
            %mul3A_397 = arith.muli %mul3A_396, %scan3A_388 : i32
            %add3A_398 = vector.broadcast %mul3A_397 : i32 to vector<16xi32>
            %add3A_399 = arith.addi %mul3A_9, %add3A_398 : vector<16xi32>
            %add3A_400 = arith.constant 1 : i32
            %add3A_401 = vector.broadcast %add3A_400 : i32 to vector<16xi32>
            %add3A_402 = arith.addi %add3A_399, %add3A_401 : vector<16xi32>
            %gather3A_403 = tpu.vector_load_idx %arg18[%add3A_399] : memref<2048xf32, #tpu.memory_space<vmem>>[vector<16xi32>], vector<16xf32>,
            %gather3A_404 = tpu.vector_load_idx %arg19[%add3A_399] : memref<2048xf32, #tpu.memory_space<vmem>>[vector<16xi32>], vector<16xf32>,
            %gather3A_405 = tpu.vector_load_idx %arg20[%add3A_399] : memref<2048xf32, #tpu.memory_space<vmem>>[vector<16xi32>], vector<16xf32>,
            %sub3A_406 = arith.subf %gather3A_404, %gather3A_403 : vector<16xf32>
            %sub3A_407 = arith.subf %sub3A_238, %sub3A_406 : vector<16xf32>
            %exp3A = math.exp %sub3A_407 : vector<16xf32>
            %neg3A = arith.constant 0.000000e+00 : f32
            %neg3A_408 = vector.broadcast %neg3A : f32 to vector<16xf32>
            %neg3A_409 = arith.subf %neg3A_408, %gather3A_403 : vector<16xf32>
            %exp3A_410 = math.exp %neg3A_409 : vector<16xf32>
            %sub3A_411 = arith.constant 1.000000e+00 : f32
            %sub3A_412 = vector.broadcast %sub3A_411 : f32 to vector<16xf32>
            %sub3A_413 = arith.subf %sub3A_412, %exp3A_410 : vector<16xf32>
            %gt3A_414 = arith.cmpf ogt, %exp3A, %get3A_3 : vector<16xf32>
            %mul3A_415 = arith.mulf %sub3A_413, %exp3A : vector<16xf32>
            %jit3A = arith.constant 0.000000e+00 : f32
            %broadcast_in_dim3A_416 = vector.broadcast %jit3A : f32 to vector<16xf32>
            %select_n3A = arith.select %gt3A_414, %mul3A_415, %broadcast_in_dim3A_416 : vector<16xi1>, vector<16xf32>
            tpu.vector_store_idx %arg24[%add3A_399], %select_n3A : memref<2048xf32, #tpu.memory_space<vmem>>[vector<16xi32>], vector<16xf32>,
            %gather3A_417 = tpu.vector_load_idx %arg21[%add3A_399] : memref<2048xf32, #tpu.memory_space<vmem>>[vector<16xi32>], vector<16xf32>,
            %gather3A_418 = tpu.vector_load_idx %arg22[%add3A_399] : memref<2048xf32, #tpu.memory_space<vmem>>[vector<16xi32>], vector<16xf32>,
            %gather3A_419 = tpu.vector_load_idx %arg23[%add3A_399] : memref<2048xf32, #tpu.memory_space<vmem>>[vector<16xi32>], vector<16xf32>,
            %add3A_420 = arith.addf %scan3A_389, %select_n3A : vector<16xf32>
            %mul3A_421 = arith.mulf %select_n3A, %gather3A_405 : vector<16xf32>
            %add3A_422 = arith.addf %scan3A_390, %mul3A_421 : vector<16xf32>
            %mul3A_423 = arith.mulf %select_n3A, %gather3A_417 : vector<16xf32>
            %add3A_424 = arith.addf %scan3A_391, %mul3A_423 : vector<16xf32>
            %mul3A_425 = arith.mulf %select_n3A, %gather3A_418 : vector<16xf32>
            %add3A_426 = arith.addf %scan3A_392, %mul3A_425 : vector<16xf32>
            %mul3A_427 = arith.mulf %select_n3A, %gather3A_419 : vector<16xf32>
            %add3A_428 = arith.addf %scan3A_393, %mul3A_427 : vector<16xf32>
            %jit3A_429 = arith.constant 1 : i32
            %jit3A_430 = arith.constant 0 : i32
            %broadcast_in_dim3A_431 = vector.broadcast %jit3A_429 : i32 to vector<16xi32>
            %broadcast_in_dim3A_432 = vector.broadcast %jit3A_430 : i32 to vector<16xi32>
            %select_n3A_433 = arith.select %gt3A_414, %broadcast_in_dim3A_431, %broadcast_in_dim3A_432 : vector<16xi1>, vector<16xi32>
            %add3A_434 = arith.addi %scan3A_394, %select_n3A_433 : vector<16xi32>
            %gather3A_435 = tpu.vector_load_idx %arg18[%add3A_402] : memref<2048xf32, #tpu.memory_space<vmem>>[vector<16xi32>], vector<16xf32>,
            %gather3A_436 = tpu.vector_load_idx %arg19[%add3A_402] : memref<2048xf32, #tpu.memory_space<vmem>>[vector<16xi32>], vector<16xf32>,
            %gather3A_437 = tpu.vector_load_idx %arg20[%add3A_402] : memref<2048xf32, #tpu.memory_space<vmem>>[vector<16xi32>], vector<16xf32>,
            %sub3A_438 = arith.subf %gather3A_436, %gather3A_435 : vector<16xf32>
            %sub3A_439 = arith.subf %sub3A_238, %sub3A_438 : vector<16xf32>
            %exp3A_440 = math.exp %sub3A_439 : vector<16xf32>
            %neg3A_441 = arith.constant 0.000000e+00 : f32
            %neg3A_442 = vector.broadcast %neg3A_441 : f32 to vector<16xf32>
            %neg3A_443 = arith.subf %neg3A_442, %gather3A_435 : vector<16xf32>
            %exp3A_444 = math.exp %neg3A_443 : vector<16xf32>
            %sub3A_445 = arith.constant 1.000000e+00 : f32
            %sub3A_446 = vector.broadcast %sub3A_445 : f32 to vector<16xf32>
            %sub3A_447 = arith.subf %sub3A_446, %exp3A_444 : vector<16xf32>
            %gt3A_448 = arith.cmpf ogt, %exp3A_440, %get3A_3 : vector<16xf32>
            %mul3A_449 = arith.mulf %sub3A_447, %exp3A_440 : vector<16xf32>
            %jit3A_450 = arith.constant 0.000000e+00 : f32
            %broadcast_in_dim3A_451 = vector.broadcast %jit3A_450 : f32 to vector<16xf32>
            %select_n3A_452 = arith.select %gt3A_448, %mul3A_449, %broadcast_in_dim3A_451 : vector<16xi1>, vector<16xf32>
            tpu.vector_store_idx %arg24[%add3A_402], %select_n3A_452 : memref<2048xf32, #tpu.memory_space<vmem>>[vector<16xi32>], vector<16xf32>,
            %gather3A_453 = tpu.vector_load_idx %arg21[%add3A_402] : memref<2048xf32, #tpu.memory_space<vmem>>[vector<16xi32>], vector<16xf32>,
            %gather3A_454 = tpu.vector_load_idx %arg22[%add3A_402] : memref<2048xf32, #tpu.memory_space<vmem>>[vector<16xi32>], vector<16xf32>,
            %gather3A_455 = tpu.vector_load_idx %arg23[%add3A_402] : memref<2048xf32, #tpu.memory_space<vmem>>[vector<16xi32>], vector<16xf32>,
            %add3A_456 = arith.addf %add3A_420, %select_n3A_452 : vector<16xf32>
            %mul3A_457 = arith.mulf %select_n3A_452, %gather3A_437 : vector<16xf32>
            %add3A_458 = arith.addf %add3A_422, %mul3A_457 : vector<16xf32>
            %mul3A_459 = arith.mulf %select_n3A_452, %gather3A_453 : vector<16xf32>
            %add3A_460 = arith.addf %add3A_424, %mul3A_459 : vector<16xf32>
            %mul3A_461 = arith.mulf %select_n3A_452, %gather3A_454 : vector<16xf32>
            %add3A_462 = arith.addf %add3A_426, %mul3A_461 : vector<16xf32>
            %mul3A_463 = arith.mulf %select_n3A_452, %gather3A_455 : vector<16xf32>
            %add3A_464 = arith.addf %add3A_428, %mul3A_463 : vector<16xf32>
            %jit3A_465 = arith.constant 1 : i32
            %jit3A_466 = arith.constant 0 : i32
            %broadcast_in_dim3A_467 = vector.broadcast %jit3A_465 : i32 to vector<16xi32>
            %broadcast_in_dim3A_468 = vector.broadcast %jit3A_466 : i32 to vector<16xi32>
            %select_n3A_469 = arith.select %gt3A_448, %broadcast_in_dim3A_467, %broadcast_in_dim3A_468 : vector<16xi1>, vector<16xi32>
            %add3A_470 = arith.addi %add3A_434, %select_n3A_469 : vector<16xi32>
            scf.yield %add3A_456, %add3A_458, %add3A_460, %add3A_462, %add3A_464, %add3A_470, %exp3A_440 : vector<16xf32>, vector<16xf32>, vector<16xf32>, vector<16xf32>, vector<16xf32>, vector<16xi32>, vector<16xf32>
          }
          %scan3A_377 = arith.constant 64 : i32
          %mul3A_378 = arith.constant 1048576 : i32
          %mul3A_379 = arith.muli %scan3A_296, %mul3A_378 : i32
          %add3A_380 = arith.addi %mul3A_379, %mul3A_235 : i32
          %dma_start3A_381 = tpu.memref_slice %arg11[%add3A_380] : memref<4194304xf32, #tpu.memory_space<hbm>> -> memref<2048xf32, #tpu.memory_space<hbm>>
          %dma_start3A_382 = tpu.memref_slice %arg11[%add3A_380] : memref<4194304xf32, #tpu.memory_space<hbm>> -> memref<2048xf32, #tpu.memory_space<hbm>>
          tpu.enqueue_dma source(%arg24 : memref<2048xf32, #tpu.memory_space<vmem>>) target(%dma_start3A_382 : memref<2048xf32, #tpu.memory_space<hbm>>) target_semaphore(%arg33 : memref<!tpu.dma_semaphore, #tpu.memory_space<semaphore_mem>>)
          %reduce_max3A_383 = arith.constant true
          %reduce_max3A_384 = vector.broadcast %reduce_max3A_383 : i1 to vector<16xi1>
          %reduce_max3A_385 = tpu.scan <max>, %scan3A_376#6 masked %reduce_max3A_384 : vector<16xf32>, vector<16xi1> -> vector<16xf32>
          %reduce_max3A_386 = vector.extract %reduce_max3A_385[15] : f32 from vector<16xf32>
          %gt3A_387 = arith.cmpf ogt, %reduce_max3A_386, %reduce_max3A_6 : f32
          scf.yield %scan3A_376#0, %scan3A_376#1, %scan3A_376#2, %scan3A_376#3, %scan3A_376#4, %scan3A_376#5, %gt3A_387, %scan3A_304 : vector<16xf32>, vector<16xf32>, vector<16xf32>, vector<16xf32>, vector<16xf32>, vector<16xi32>, i1, i32
        } else {
          %mul3A_310 = arith.constant 1048576 : i32
          %mul3A_311 = arith.muli %scan3A_296, %mul3A_310 : i32
          %add3A_312 = arith.addi %mul3A_311, %mul3A_235 : i32
          %dma_start3A_313 = tpu.memref_slice %arg11[%add3A_312] : memref<4194304xf32, #tpu.memory_space<hbm>> -> memref<2048xf32, #tpu.memory_space<hbm>>
          %dma_start3A_314 = tpu.memref_slice %arg11[%add3A_312] : memref<4194304xf32, #tpu.memory_space<hbm>> -> memref<2048xf32, #tpu.memory_space<hbm>>
          tpu.enqueue_dma source(%arg25 : memref<2048xf32, #tpu.memory_space<vmem>>) target(%dma_start3A_314 : memref<2048xf32, #tpu.memory_space<hbm>>) target_semaphore(%arg34 : memref<!tpu.dma_semaphore, #tpu.memory_space<semaphore_mem>>)
          %add3A_315 = arith.constant 1 : i32
          %add3A_316 = arith.addi %scan3A_304, %add3A_315 : i32
          %cond3A_317 = arith.constant false
          scf.yield %scan3A_297, %scan3A_298, %scan3A_299, %scan3A_300, %scan3A_301, %scan3A_302, %cond3A_317, %add3A_316 : vector<16xf32>, vector<16xf32>, vector<16xf32>, vector<16xf32>, vector<16xf32>, vector<16xi32>, i1, i32
        }
        scf.yield %cond3A_309#0, %cond3A_309#1, %cond3A_309#2, %cond3A_309#3, %cond3A_309#4, %cond3A_309#5, %cond3A_309#6, %cond3A_309#7 : vector<16xf32>, vector<16xf32>, vector<16xf32>, vector<16xf32>, vector<16xf32>, vector<16xi32>, i1, i32
      }
      %scan3A_257 = arith.constant 3 : i32
      %mul3A_258 = arith.constant 16 : i32
      %mul3A_259 = arith.muli %add3A_87, %mul3A_258 : i32
      %swap3A_260 = arith.index_cast %mul3A_259 : i32 to index
      %swap3A_261 = tpu.vector_load %arg27[%swap3A_260] {strides = array<i32>} : memref<256xf32, #tpu.memory_space<vmem>>, vector<16xf32>,
      tpu.vector_store %arg27[%swap3A_260], %scan3A_256#0 {strides = array<i32>} : memref<256xf32, #tpu.memory_space<vmem>>, vector<16xf32>,
      %swap3A_262 = arith.index_cast %mul3A_259 : i32 to index
      %swap3A_263 = tpu.vector_load %arg28[%swap3A_262] {strides = array<i32>} : memref<256xf32, #tpu.memory_space<vmem>>, vector<16xf32>,
      tpu.vector_store %arg28[%swap3A_262], %scan3A_256#1 {strides = array<i32>} : memref<256xf32, #tpu.memory_space<vmem>>, vector<16xf32>,
      %mul3A_264 = arith.constant 3 : i32
      %mul3A_265 = arith.muli %mul3A_264, %mul3A_259 : i32
      %mul3A_266 = arith.constant 3 : i32
      %mul3A_267 = vector.broadcast %mul3A_266 : i32 to vector<16xi32>
      %mul3A_268 = arith.muli %iota3A, %mul3A_267 : vector<16xi32>
      %add3A_269 = vector.broadcast %mul3A_265 : i32 to vector<16xi32>
      %add3A_270 = arith.addi %add3A_269, %mul3A_268 : vector<16xi32>
      tpu.vector_store_idx %arg29[%add3A_270], %scan3A_256#2 : memref<768xf32, #tpu.memory_space<vmem>>[vector<16xi32>], vector<16xf32>,
      %mul3A_271 = arith.constant 3 : i32
      %mul3A_272 = arith.muli %mul3A_271, %mul3A_259 : i32
      %mul3A_273 = arith.constant 3 : i32
      %mul3A_274 = vector.broadcast %mul3A_273 : i32 to vector<16xi32>
      %mul3A_275 = arith.muli %iota3A, %mul3A_274 : vector<16xi32>
      %add3A_276 = vector.broadcast %mul3A_272 : i32 to vector<16xi32>
      %add3A_277 = arith.addi %add3A_276, %mul3A_275 : vector<16xi32>
      %add3A_278 = arith.constant 1 : i32
      %add3A_279 = vector.broadcast %add3A_278 : i32 to vector<16xi32>
      %add3A_280 = arith.addi %add3A_277, %add3A_279 : vector<16xi32>
      tpu.vector_store_idx %arg29[%add3A_280], %scan3A_256#3 : memref<768xf32, #tpu.memory_space<vmem>>[vector<16xi32>], vector<16xf32>,
      %mul3A_281 = arith.constant 3 : i32
      %mul3A_282 = arith.muli %mul3A_281, %mul3A_259 : i32
      %mul3A_283 = arith.constant 3 : i32
      %mul3A_284 = vector.broadcast %mul3A_283 : i32 to vector<16xi32>
      %mul3A_285 = arith.muli %iota3A, %mul3A_284 : vector<16xi32>
      %add3A_286 = vector.broadcast %mul3A_282 : i32 to vector<16xi32>
      %add3A_287 = arith.addi %add3A_286, %mul3A_285 : vector<16xi32>
      %add3A_288 = arith.constant 2 : i32
      %add3A_289 = vector.broadcast %add3A_288 : i32 to vector<16xi32>
      %add3A_290 = arith.addi %add3A_287, %add3A_289 : vector<16xi32>
      tpu.vector_store_idx %arg29[%add3A_290], %scan3A_256#4 : memref<768xf32, #tpu.memory_space<vmem>>[vector<16xi32>], vector<16xf32>,
      %dma_wait3A_291 = arith.constant 0 : i32
      %dma_wait3A_292 = tpu.memref_slice %arg11[%dma_wait3A_291] : memref<4194304xf32, #tpu.memory_space<hbm>> -> memref<2048xf32, #tpu.memory_space<hbm>>
      %dma_wait3A_293 = arith.constant 0 : i32
      %dma_wait3A_294 = tpu.memref_slice %arg11[%dma_wait3A_293] : memref<4194304xf32, #tpu.memory_space<hbm>> -> memref<2048xf32, #tpu.memory_space<hbm>>
      tpu.wait_dma2 semaphore(%arg33 : memref<!tpu.dma_semaphore, #tpu.memory_space<semaphore_mem>>) src(%dma_wait3A_294 : memref<2048xf32, #tpu.memory_space<hbm>>) dst(%arg24 : memref<2048xf32, #tpu.memory_space<vmem>>)
      %add3A_295 = arith.addi %add3A_202, %scan3A_256#5 : vector<16xi32>
      scf.yield %add3A_295, %scan3A_256#7 : vector<16xi32>, i32
    }
    %scan3A_49 = arith.constant 8 : i32
    %swap3A = arith.constant 0 : index
    %swap3A_50 = tpu.vector_load %arg30[%swap3A] {strides = array<i32>} : memref<16xi32, #tpu.memory_space<vmem>>, vector<16xi32>,
    tpu.vector_store %arg30[%swap3A], %scan3A_48#0 {strides = array<i32>} : memref<16xi32, #tpu.memory_space<vmem>>, vector<16xi32>,
    %while3A = arith.constant 0 : i32
    %while3A_51 = arith.constant 0 : i32
    %while3A_52 = arith.subi %scan3A_48#1, %while3A_51 : i32
    %while3A_53 = arith.addi %while3A_51, %while3A_52 : i32
    %while3A_54 = arith.constant 1 : i32
    %while3A_55 = arith.divsi %while3A_52, %while3A_54 : i32
    %while3A_56 = arith.muli %while3A_55, %while3A_54 : i32
    %while3A_57 = arith.addi %while3A_51, %while3A_56 : i32
    %while3A_58 = arith.constant 1 : i32
    scf.for %while3A_79 = %while3A_51 to %while3A_57 step %while3A_58  : i32 {
      %dma_wait3A_80 = arith.constant 0 : i32
      %dma_wait3A_81 = tpu.memref_slice %arg11[%dma_wait3A_80] : memref<4194304xf32, #tpu.memory_space<hbm>> -> memref<2048xf32, #tpu.memory_space<hbm>>
      %dma_wait3A_82 = arith.constant 0 : i32
      %dma_wait3A_83 = tpu.memref_slice %arg11[%dma_wait3A_82] : memref<4194304xf32, #tpu.memory_space<hbm>> -> memref<2048xf32, #tpu.memory_space<hbm>>
      tpu.wait_dma2 semaphore(%arg34 : memref<!tpu.dma_semaphore, #tpu.memory_space<semaphore_mem>>) src(%dma_wait3A_83 : memref<2048xf32, #tpu.memory_space<hbm>>) dst(%arg25 : memref<2048xf32, #tpu.memory_space<vmem>>)
    }
    %while3A_59 = arith.constant 1 : i32
    scf.for %while3A_79 = %while3A_57 to %while3A_53 step %while3A_59  : i32 {
      %dma_wait3A_80 = arith.constant 0 : i32
      %dma_wait3A_81 = tpu.memref_slice %arg11[%dma_wait3A_80] : memref<4194304xf32, #tpu.memory_space<hbm>> -> memref<2048xf32, #tpu.memory_space<hbm>>
      %dma_wait3A_82 = arith.constant 0 : i32
      %dma_wait3A_83 = tpu.memref_slice %arg11[%dma_wait3A_82] : memref<4194304xf32, #tpu.memory_space<hbm>> -> memref<2048xf32, #tpu.memory_space<hbm>>
      tpu.wait_dma2 semaphore(%arg34 : memref<!tpu.dma_semaphore, #tpu.memory_space<semaphore_mem>>) src(%dma_wait3A_83 : memref<2048xf32, #tpu.memory_space<hbm>>) dst(%arg25 : memref<2048xf32, #tpu.memory_space<vmem>>)
    }
    %dma_start3A_60 = tpu.memref_slice %arg8[%mul3A_2] : memref<8192xf32, #tpu.memory_space<hbm>> -> memref<256xf32, #tpu.memory_space<hbm>>
    %dma_start3A_61 = tpu.memref_slice %arg8[%mul3A_2] : memref<8192xf32, #tpu.memory_space<hbm>> -> memref<256xf32, #tpu.memory_space<hbm>>
    tpu.enqueue_dma source(%arg27 : memref<256xf32, #tpu.memory_space<vmem>>) target(%dma_start3A_61 : memref<256xf32, #tpu.memory_space<hbm>>) target_semaphore(%arg35 : memref<!tpu.dma_semaphore, #tpu.memory_space<semaphore_mem>>)
    %dma_start3A_62 = tpu.memref_slice %arg9[%mul3A_2] : memref<8192xf32, #tpu.memory_space<hbm>> -> memref<256xf32, #tpu.memory_space<hbm>>
    %dma_start3A_63 = tpu.memref_slice %arg9[%mul3A_2] : memref<8192xf32, #tpu.memory_space<hbm>> -> memref<256xf32, #tpu.memory_space<hbm>>
    tpu.enqueue_dma source(%arg28 : memref<256xf32, #tpu.memory_space<vmem>>) target(%dma_start3A_63 : memref<256xf32, #tpu.memory_space<hbm>>) target_semaphore(%arg35 : memref<!tpu.dma_semaphore, #tpu.memory_space<semaphore_mem>>)
    %mul3A_64 = arith.constant 3 : i32
    %mul3A_65 = arith.muli %mul3A_2, %mul3A_64 : i32
    %dma_start3A_66 = tpu.memref_slice %arg10[%mul3A_65] : memref<24576xf32, #tpu.memory_space<hbm>> -> memref<768xf32, #tpu.memory_space<hbm>>
    %dma_start3A_67 = tpu.memref_slice %arg10[%mul3A_65] : memref<24576xf32, #tpu.memory_space<hbm>> -> memref<768xf32, #tpu.memory_space<hbm>>
    tpu.enqueue_dma source(%arg29 : memref<768xf32, #tpu.memory_space<vmem>>) target(%dma_start3A_67 : memref<768xf32, #tpu.memory_space<hbm>>) target_semaphore(%arg35 : memref<!tpu.dma_semaphore, #tpu.memory_space<semaphore_mem>>)
    %mul3A_68 = arith.constant 16 : i32
    %mul3A_69 = arith.muli %add3A, %mul3A_68 : i32
    %dma_start3A_70 = tpu.memref_slice %arg7[%mul3A_69] : memref<512xi32, #tpu.memory_space<hbm>> -> memref<16xi32, #tpu.memory_space<hbm>>
    %dma_start3A_71 = tpu.memref_slice %arg7[%mul3A_69] : memref<512xi32, #tpu.memory_space<hbm>> -> memref<16xi32, #tpu.memory_space<hbm>>
    tpu.enqueue_dma source(%arg30 : memref<16xi32, #tpu.memory_space<vmem>>) target(%dma_start3A_71 : memref<16xi32, #tpu.memory_space<hbm>>) target_semaphore(%arg35 : memref<!tpu.dma_semaphore, #tpu.memory_space<semaphore_mem>>)
    %dma_wait3A = tpu.memref_slice %arg8[%mul3A_2] : memref<8192xf32, #tpu.memory_space<hbm>> -> memref<256xf32, #tpu.memory_space<hbm>>
    %dma_wait3A_72 = tpu.memref_slice %arg8[%mul3A_2] : memref<8192xf32, #tpu.memory_space<hbm>> -> memref<256xf32, #tpu.memory_space<hbm>>
    tpu.wait_dma2 semaphore(%arg35 : memref<!tpu.dma_semaphore, #tpu.memory_space<semaphore_mem>>) src(%arg27 : memref<256xf32, #tpu.memory_space<vmem>>) dst(%dma_wait3A_72 : memref<256xf32, #tpu.memory_space<hbm>>)
    %dma_wait3A_73 = tpu.memref_slice %arg9[%mul3A_2] : memref<8192xf32, #tpu.memory_space<hbm>> -> memref<256xf32, #tpu.memory_space<hbm>>
    %dma_wait3A_74 = tpu.memref_slice %arg9[%mul3A_2] : memref<8192xf32, #tpu.memory_space<hbm>> -> memref<256xf32, #tpu.memory_space<hbm>>
    tpu.wait_dma2 semaphore(%arg35 : memref<!tpu.dma_semaphore, #tpu.memory_space<semaphore_mem>>) src(%arg28 : memref<256xf32, #tpu.memory_space<vmem>>) dst(%dma_wait3A_74 : memref<256xf32, #tpu.memory_space<hbm>>)
    %dma_wait3A_75 = tpu.memref_slice %arg10[%mul3A_65] : memref<24576xf32, #tpu.memory_space<hbm>> -> memref<768xf32, #tpu.memory_space<hbm>>
    %dma_wait3A_76 = tpu.memref_slice %arg10[%mul3A_65] : memref<24576xf32, #tpu.memory_space<hbm>> -> memref<768xf32, #tpu.memory_space<hbm>>
    tpu.wait_dma2 semaphore(%arg35 : memref<!tpu.dma_semaphore, #tpu.memory_space<semaphore_mem>>) src(%arg29 : memref<768xf32, #tpu.memory_space<vmem>>) dst(%dma_wait3A_76 : memref<768xf32, #tpu.memory_space<hbm>>)
    %dma_wait3A_77 = tpu.memref_slice %arg7[%mul3A_69] : memref<512xi32, #tpu.memory_space<hbm>> -> memref<16xi32, #tpu.memory_space<hbm>>
    %dma_wait3A_78 = tpu.memref_slice %arg7[%mul3A_69] : memref<512xi32, #tpu.memory_space<hbm>> -> memref<16xi32, #tpu.memory_space<hbm>>
    tpu.wait_dma2 semaphore(%arg35 : memref<!tpu.dma_semaphore, #tpu.memory_space<semaphore_mem>>) src(%arg30 : memref<16xi32, #tpu.memory_space<vmem>>) dst(%dma_wait3A_78 : memref<16xi32, #tpu.memory_space<hbm>>)
    return
  }
}

</mosaic_0001>

<sc_bundles>
// kernel: kernel.3.cloned.1.call-start
scs
__scs_entry_jumppad:
0x0: {  	(pc) =	sbr.rel $0x88, $3  }
0x1: {  	(tag) =	ssettag $0x0;
	lr =	simm.s32 $0x1  }
0x2: {  	[smem:$0x3F9C] =	sst lr;
	_ =	strace $0xD0000000  }
0x3: {  	_ = 	snop  }
0x4: {  	_ = 	snop  }
0x5: {  	_ = 	snop  }
0x6: {  	_ = 	snop  }
0x7: {  	_ = 	snop  }
__scs_overlays_trampoline_lowered:
0x8: {  	[smem:$0x3FAB] =	sst s0  }
0x9: {  	[smem:$0x3FAC] =	sst s1  }
0xa: {  	[smem:$0x3FAD] =	sst s2  }
0xb: {  	[smem:$0x3FAE] =	sst s3  }
0xc: {  	[smem:$0x3FAF] =	sst s4  }
0xd: {  	[smem:$0x3FB0] =	sst s5  }
0xe: {  	[smem:$0x3FB1] =	sst s6  }
0xf: {  	[smem:$0x3FB2] =	sst s7  }
0x10: {  	[smem:$0x3FB3] =	sst s8  }
0x11: {  	[smem:$0x3FB4] =	sst s9;
	s0 =	simm.s32 @!p0 $0x0  }
0x12: {  	s1 =	sld [smem:$0x3F9A];
	s0 =	simm.s32 @p0 $0x1  }
0x13: {  	[smem:$0x3FB5] =	sst s0;
	s0 =	simm.s32 @!p1 $0x0  }
0x14: {  	s2 =	sld [smem:$0x3F99];
	s0 =	simm.s32 @p1 $0x1  }
0x15: {  	[smem:$0x3FB6] =	sst s0;
	s0 =	simm.s32 @!p2 $0x0  }
0x16: {  	s3 =	sld [smem:$0x3FDB];
	s0 =	simm.s32 @p2 $0x1  }
0x17: {  	s4 =	simm.s32 $0x1BF5;
	[smem:$0x3FB8] =	sst s0  }
0x18: {  	s0 =	sld [smem:$0x3F9B];
	_ =	swait.ge [sflag:s4], $0x0  }
0x19: {  	s7 =	sld [smem:$0x3F9C]  }
0x1a: {  	s8 =	sadd.s32 $0xFFFFE003, lr  }
0x1b: {  	s9 =	sadd.s32 $0xFFFFFEF7, lr;
	s5 =	simm.s32 $0xFFFFFFFF;
	p2 =	slt.u32 s8, $0xFFFFF086  }
0x1c: {  	p1 =	slt.u32 s9, $0xF7A;
	s5 =	simm.s32 @!p2 $0x0  }
0x1d: {  	s5 =	simm.s32 @p1 $0x1;
	p0 =	seq.s32 s7, s2  }
0x1e: {  	s7 =	smul.u32 @!p0 $0xF7A, s2;
	p2 =	seq.s32 @!p0 s5, $0x0  }
0x1f: {  	s9 =	smul.u32 $0xF7A, s1;
	s8 =	simm.s32 @!p0 $0x1BF5;
	p2 =	por !p2, p0  }
0x20: {  	[sflag:s8] =	ssyncset.s32 @!p0 $0xFFFFF086;
	s6 =	sadd.s32 @!p0 s3, s7;
	s7 =	simm.s32 @!p0 $0x108  }
0x21: {  	s3 =	sadd.s32 s3, s9;
	s6 =	sadd.s32 @!p0 $0x88, s6;
	s7 =	simm.s32 @p2 $0x1082  }
0x22: {  	[simem:s7], [sflag:s8] =	dma.local @!p0 [hbm:s6], $0xF7A  }
0x23: {  	s9 =	sor.u32 $0xD0000000, s2;
	s6 =	simm.s32 $0x108;
	_ =	swait.ge @!p0 [sflag:s8], $0x0  }
0x24: {  	s3 =	sadd.s32 $0x88, s3;
	s6 =	simm.s32 @!p1 $0x1082;
	[sflag:s4] =	ssyncset.s32 $0xFFFFF086  }
0x25: {  	[simem:s6], [sflag:s4] =	dma.local [hbm:s3], $0xF7A  }
0x26: {  	[smem:$0x3F9C] =	sst s1;
	(tag) =	ssettag s2;
	_ =	strace s9  }
0x27: {  	s1 =	sld [smem:$0x3FAC]  }
0x28: {  	s2 =	sld [smem:$0x3FAD]  }
0x29: {  	s4 =	sld [smem:$0x3FAF]  }
0x2a: {  	p0 =	seq.s32 s5, $0x0;
	s5 =	sld [smem:$0x3FB0]  }
0x2b: {  	s6 =	sld [smem:$0x3FB1]  }
0x2c: {  	s7 =	sld [smem:$0x3FB2]  }
0x2d: {  	s3 =	simm.s32 $0x108;
	s8 =	sld [smem:$0x3FB3]  }
0x2e: {  	s3 =	simm.s32 @!p0 $0x1082;
	s9 =	sld [smem:$0x3FB4]  }
0x2f: {  	lr =	sadd.s32 s0, s3;
	s0 =	sld [smem:$0x3FAB]  }
0x30: {  	s3 =	sld [smem:$0x3FAE]  }
0x31: {  	[smem:$0x3FB7] =	sst s10  }
0x32: {  	s10 =	sld [smem:$0x3FB5];
	_ =	sdelay $0x3  }
0x33: {  	p0 =	seq.s32 s10, $0x1;
	s10 =	sld [smem:$0x3FB7];
	_ =	sdelay $0x3  }
0x34: {  	[smem:$0x3FB7] =	sst s10  }
0x35: {  	s10 =	sld [smem:$0x3FB6];
	_ =	sdelay $0x3  }
0x36: {  	p1 =	seq.s32 s10, $0x1;
	s10 =	sld [smem:$0x3FB7];
	_ =	sdelay $0x3  }
0x37: {  	[smem:$0x3FB7] =	sst s10  }
0x38: {  	s10 =	sld [smem:$0x3FB8]  }
0x39: {  	_ = 	snop;
	(pc) =	sbr.ind lr, $3  }
0x3a: {  	_ = 	snop  }
0x3b: {  	_ = 	snop  }
0x3c: {  	p2 =	seq.s32 s10, $0x1;
	s10 =	sld [smem:$0x3FB7]  }
0x3d: {  	_ =	shalt  }
0x3e: {  	_ =	shalt  }
0x3f: {  	_ =	shalt  }
0x40: {  	_ =	shalt  }
0x41: {  	_ =	shalt  }
0x42: {  	_ =	shalt  }
0x43: {  	_ =	shalt  }
0x44: {  	_ =	shalt  }
0x45: {  	_ =	shalt  }
0x46: {  	_ =	shalt  }
0x47: {  	_ =	shalt  }
0x48: {  	_ =	shalt  }
0x49: {  	_ =	shalt  }
0x4a: {  	_ =	shalt  }
0x4b: {  	_ =	shalt  }
0x4c: {  	_ =	shalt  }
0x4d: {  	_ =	shalt  }
0x4e: {  	_ =	shalt  }
0x4f: {  	_ =	shalt  }
0x50: {  	_ =	shalt  }
0x51: {  	_ =	shalt  }
0x52: {  	_ =	shalt  }
0x53: {  	_ =	shalt  }
0x54: {  	_ =	shalt  }
0x55: {  	_ =	shalt  }
0x56: {  	_ =	shalt  }
0x57: {  	_ =	shalt  }
0x58: {  	_ =	shalt  }
0x59: {  	_ =	shalt  }
0x5a: {  	_ =	shalt  }
0x5b: {  	_ =	shalt  }
0x5c: {  	_ =	shalt  }
0x5d: {  	_ =	shalt  }
0x5e: {  	_ =	shalt  }
0x5f: {  	_ =	shalt  }
0x60: {  	_ =	shalt  }
0x61: {  	_ =	shalt  }
0x62: {  	_ =	shalt  }
0x63: {  	_ =	shalt  }
0x64: {  	_ =	shalt  }
0x65: {  	_ =	shalt  }
0x66: {  	_ =	shalt  }
0x67: {  	_ =	shalt  }
0x68: {  	_ =	shalt  }
0x69: {  	_ =	shalt  }
0x6a: {  	_ =	shalt  }
0x6b: {  	_ =	shalt  }
0x6c: {  	_ =	shalt  }
0x6d: {  	_ =	shalt  }
0x6e: {  	_ =	shalt  }
0x6f: {  	_ =	shalt  }
0x70: {  	_ =	shalt  }
0x71: {  	_ =	shalt  }
0x72: {  	_ =	shalt  }
0x73: {  	_ =	shalt  }
0x74: {  	_ =	shalt  }
0x75: {  	_ =	shalt  }
0x76: {  	_ =	shalt  }
0x77: {  	_ =	shalt  }
0x78: {  	_ =	shalt  }
0x79: {  	_ =	shalt  }
0x7a: {  	_ =	shalt  }
0x7b: {  	_ =	shalt  }
0x7c: {  	_ =	shalt  }
0x7d: {  	_ =	shalt  }
0x7e: {  	_ =	shalt  }
0x7f: {  	_ =	shalt  }
0x80: {  	_ =	shalt  }
0x81: {  	_ =	shalt  }
0x82: {  	_ =	shalt  }
0x83: {  	_ =	shalt  }
0x84: {  	_ =	shalt  }
0x85: {  	_ =	shalt  }
0x86: {  	_ =	shalt  }
0x87: {  	_ =	shalt  }
.Lfunc_end0:
.L_simem_size_0:
called_computation.1_lowered:
.L_overlay_start_0:
0x88: {  	s2 =	sld [smem:$0x3FD9]  }
0x89: {  	s3 =	sld [smem:$0x3FFE];
	_ =	sdelay $0x1  }
0x8a: {  	s1 =	srdreg.scid  }
0x8b: {  	s0 =	sand.u32 $0x1, s1  }
0x8c: {  	s14 =	sshll.u32 s0, $0xA;
	s2 =	sadd.s32 s3, s2  }
0x8d: {  	s2 =	sadd.s32 s2, s14  }
0x8e: {  	[smem:$0x3FC3] =	sst s2  }
0x8f: {  	_ = 	snop  }
0x90: {  	s2 =	sld [smem:$0x3FD0];
	_ =	sdelay $0x2  }
0x91: {  	s15 =	simm.s32 $0xA;
	s4 =	simm.s32 $0x10  }
0x92: {  	[smem:s4], [sflag:s15] =	dma.local [hbm:s2], $0x1  }
0x93: {  	_ =	swait.eq [sflag:s15], $0x1  }
0x94: {  	s16 =	sld [smem:$0x10]  }
0x95: {  	s17 =	sld [smem:$0x11]  }
0x96: {  	s5 =	sld [smem:$0x12];
	[sflag:s15] =	ssyncset.done $0x0  }
0x97: {  	s6 =	sld [smem:$0x13];
	[sflag:s15] =	ssyncadd.s32 $0xFFFFFFFF  }
0x98: {  	s18 =	sld [smem:$0x14];
	(tm) =	ssettm $0x1  }
0x99: {  	s7 =	sld [smem:$0x3FFB];
	_ =	sdelay $0x3  }
0x9a: {  	_ =	strace s7  }
0x9b: {  	s7 =	sld [smem:$0x3FFC];
	_ =	sdelay $0x3  }
0x9c: {  	_ =	strace s7  }
0x9d: {  	s7 =	sld [smem:$0x3FFD];
	_ =	sdelay $0x3  }
0x9e: {  	_ =	strace s7  }
0x9f: {  	_ =	strace $0x8FFFFFFF  }
0xa0: {  	s19 =	sld [smem:$0x3FDB];
	_ =	sdelay $0x1  }
0xa1: {  	s8 =	simm.s32 $_scs_section_size  }
0xa2: {  	s9 =	simm.s32 $_size__tile_overlayer_lowered;
	s10 =	simm.s32 $_tile_overlayer_lowered  }
0xa3: {  	s22 =	simm.s32 $0x1BFF;
	s21 =	sshll.u32 s10, $0x1;
	s7 =	sadd.s32 s8, s19  }
0xa4: {  	s11 =	simm.s32 $0x0;
	s20 =	sshll.u32 s9, $0x1;
	s9 =	sadd.s32 s21, s7  }
0xa5: {  	[timem:s11], [sflag:s22] =	dma.local [hbm:s9], s20  }
0xa6: {  	_ =	swait.ge [sflag:s22], s20  }
0xa7: {  	s8 =	ssub.s32 $0x0, s20;
	[sflag:s22] =	ssyncset.done $0x0  }
0xa8: {  	[sflag:s22] =	ssyncadd.s32 s8;
	_ =	sdelay $0x1  }
0xa9: {  	s23 =	simm.s32 $0x1B8B  }
0xaa: {  	_ =	swait.ge [sflag:s23], $0x1  }
0xab: {  	[sflag:s23] =	ssyncset.done $0x0  }
0xac: {  	s25 =	simm.s32 $0x1B8E;
	s24 =	sld [smem:$0x3FFE];
	[sflag:s23] =	ssyncadd.s32 $0xFFFFFFFF  }
0xad: {  	s26 =	simm.s32 $execute0_lowered;
	[smem:$0x3FD2] =	sst s25  }
0xae: {  	s9 =	sshll.u32 s26, $0x1;
	_ =	strace $0x80000049;
	[dreg:$0x1] =	wrdreg $0xFFFFFFFF  }
0xaf: {  	s28 =	simm.s32 $_size_execute0_lowered;
	s7 =	sadd.s32 s7, s9;
	[dreg:$0x0] =	wrdreg $0x0  }
0xb0: {  	s9 =	sshll.u32 s28, $0x1;
	[dreg:$0x2] =	wrdreg s7  }
0xb1: {  	[dreg:$0x3] =	wrdreg s9  }
0xb2: {  	[dreg:$0x4] =	wrdreg $0xC0  }
0xb3: {  	_ =	task [dreg:s11], $0x5FFFF  }
0xb4: {  	[dreg:$0x1] =	wrdreg $0xFFFFFFFF  }
0xb5: {  	[dreg:$0x0] =	wrdreg $0x60  }
0xb6: {  	[dreg:$0x2] =	wrdreg s18  }
0xb7: {  	[dreg:$0x3] =	wrdreg s24  }
0xb8: {  	[dreg:$0x4] =	wrdreg s16  }
0xb9: {  	[dreg:$0x5] =	wrdreg s17  }
0xba: {  	[dreg:$0x6] =	wrdreg s5  }
0xbb: {  	[dreg:$0x7] =	wrdreg s6  }
0xbc: {  	[dreg:$0x8] =	wrdreg $0x9  }
0xbd: {  	_ =	task.clear_ibuf [dreg:s11], $0x9FFFF;
	_ =	strace $0x90000049  }
0xbe: {  	s29 =	simm.s32 $0x9;
	_ =	strace $0x8000004B  }
0xbf: {  	_ =	swait.ge [sflag:s29], $0x1  }
0xc0: {  	[sflag:s29] =	ssyncadd.s32 $0xFFFFFFFF  }
0xc1: {  	_ =	strace $0x9000004B  }
0xc2: {  	_ =	sfence  }
0xc3: {  	s30 =	sld [smem:$0x0];
	_ =	sdelay $0x2  }
0xc4: {  	s31 =	sshll.u32 s1, $0xD;
	s1 =	sshrl.u32 s1, $0x2  }
0xc5: {  	s3 =	sand.u32 $0x4000, s31;
	s1 =	sadd.s32 s1, s30  }
0xc6: {  	s0 =	sor.u32 s3, s0;
	s1 =	sshll.u32 s1, $0x11  }
0xc7: {  	s0 =	sor.u32 s1, s0  }
0xc8: {  	s0 =	sadd.s32 $0x8F2B, s0  }
0xc9: {  	[sflag:s0] =	ssyncadd.remote.s32 $0x1  }
0xca: {  	_ =	sfence.sel $0xFFFF  }
0xcb: {  	[dreg:$0x0] =	wrdreg $0xFFFFFFFF;
	(pc) =	sbr.abs _section_cstart, $3  }
0xcc: {  	[dreg:$0x1] =	wrdreg $0xFFFFFFFF  }
0xcd: {  	_ =	task.clear_ibuf [dreg:s11], $0x2FFFF;
	_ =	strace $0x9FFFFFFF  }
0xce: {  	(tm) =	ssettm $0x7FFFFFFF  }
0xcf: {  	_ =	shalt  }
tec
execute0_lowered:
.L_overlay_start_1:
0x0: {  	(tag) =	ssettag $0x1  }
0x1: {  	s1 =	rddreg [dreg:$0x0]  }
0x2: {  	s2 =	rddreg [dreg:$0x1]  }
0x3: {  	s0 =	rddreg [dreg:$0x3]  }
0x4: {  	s3 =	rddreg [dreg:$0x4]  }
0x5: {  	s5 =	rddreg [dreg:$0x5]  }
0x6: {  	s4 =	simm.s32 $0x0;
	s6 =	srdreg.scid;
	s10 =	stileid.u32  }
0x7: {  	s28 =	simm.s32 $0x1800;
	s29 =	simm.s32 $0x2000;
	s30 =	simm.s32 $0x2800  }
0x8: {  	s31 =	simm.s32 $0x1;
	[smem:$0x7FF] =	sst s4;
	s9 =	sand.u32 $0x1, s6  }
0x9: {  	s6 =	sadd.s32 $0x300000, s2;
	s7 =	sadd.s32 $0x380000, s2;
	s14 =	sadd.s32 $0x280000, s2  }
0xa: {  	_ =	strace $0x8000004A;
	s8 =	sshll.u32 s9, $0x4;
	s9 =	ssub.s32 $0x2, s9  }
0xb: {  	[dreg:$0xd] =	wrdreg s14;
	s10 =	sor.u32 s10, s8;
	s8 =	sadd.s32 $0x180000, s2  }
0xc: {  	s12 =	sshrl.u32 s9, $0x1;
	s11 =	sshll.u32 s10, $0x1;
	s13 =	sshll.u32 s10, $0xC  }
0xd: {  	s9 =	ssub.s32 s9, s12;
	s16 =	sshll.u32 s10, $0x8;
	s21 =	smul.u32 $0x60, s10  }
0xe: {  	s10 =	sshll.u32 s10, $0x5;
	s17 =	sadd.s32 s1, s13;
	[dreg:$0x7] =	wrdreg s16  }
0xf: {  	s11 =	sadd.s32 s11, s2;
	s18 =	sadd.s32 s6, s13;
	[dreg:$0x8] =	wrdreg s17  }
0x10: {  	s19 =	sadd.s32 s7, s13;
	s20 =	sadd.s32 s8, s13;
	[dreg:$0x9] =	wrdreg s18  }
0x11: {  	s13 =	sadd.s32 s13, s14;
	s22 =	sor.u32 $0x20, s16;
	[dreg:$0xa] =	wrdreg s19  }
0x12: {  	s0 =	sadd.s32 s0, s10;
	s23 =	sadd.s32 s3, s10;
	[dreg:$0xb] =	wrdreg s20  }
0x13: {  	s26 =	smax.u32 s9, $0x1;
	s3 =	simm.s32 $0x4000;
	[dreg:$0xe] =	wrdreg s13  }
0x14: {  	s10 =	simm.s32 $0x5000;
	s14 =	simm.s32 $0x3;
	[dreg:$0xf] =	wrdreg s22  }
0x15: {  	s9 =	simm.s32 $0x6800;
	s12 =	sadd.s32 $0x80000, s20;
	[dreg:$0x10] =	wrdreg s0  }
0x16: {  	[dreg:$0x11] =	wrdreg s23;
	s24 =	sadd.s32 s5, s21;
	s25 =	sadd.s32 $0x80000, s11  }
.Ltmp0:
0x17: {  	[dreg:$0x14] =	wrdreg s26;
	s26 =	simm.s32 $0x1000;
	(pc) =	sbr.rel .LBB2_1-.Ltmp0, $4  }
0x18: {  	v1 =	vlaneseq.u32;
	s0 =	simm.s32 $0x3000;
	s5 =	simm.s32 $0x3800;
	s23 =	simm.s32 $0x4800  }
0x19: {  	v0 =	vmul.u32 $0x80, v1;
	v1 =	vmul.u32 $0x3, v1;
	s11 =	simm.s32 $0x5800;
	s18 =	simm.s32 $0x2;
	[dreg:$0xc] =	wrdreg s12  }
0x1a: {  	v2 =	vimm.f32 $0.0e+00;
	v4 =	vimm.s32 $0x0;
	s19 =	simm.s32 $0x4;
	s20 =	simm.s32 $0x0;
	[dreg:$0x12] =	wrdreg s24  }
0x1b: {  	v3 =	vor.u32 $0x1, v0;
	v5 =	vadd.s32 $0x1, v1;
	v6 =	vadd.s32 $0x2, v1;
	[dreg:$0x13] =	wrdreg s25;
	s25 =	simm.s32 $0x800;
	s12 =	simm.s32 $0x6000  }
.LBB2_26:
0x1c: {  	[sflag:s19] =	ssyncadd.s32 $0xFFFFF800  }
.LBB2_27:
0x1d: {  	s13 =	rddreg [dreg:$0x10];
	s17 =	simm.s32 $0x7080  }
0x1e: {  	[hbm4b:s13+s4] =	stream.linear.scatter [tilespmem:s17], [sflag:$0x5], $0x100, $0x38;
	[tilespmem:$0x7600] =	vst v63  }
0x1f: {  	s21 =	rddreg [dreg:$0x11];
	s22 =	simm.s32 $0x7180  }
0x20: {  	[hbm4b:s21+s4] =	stream.linear.scatter [tilespmem:s22], [sflag:$0x5], $0x100, $0x38;
	[tilespmem:$0x7600] =	vst v63  }
0x21: {  	s24 =	rddreg [dreg:$0x12]  }
0x22: {  	[hbm4b:s24+s4] =	stream.linear.scatter [tilespmem:s15], [sflag:$0x5], $0x300, $0x38;
	[tilespmem:$0x7600] =	vst v63  }
0x23: {  	s17 =	rddreg [dreg:$0x13];
	s21 =	simm.s32 $0x7580;
	s22 =	simm.s32 $0x5  }
0x24: {  	[hbm4b:s17+s4] =	stream.linear.scatter [tilespmem:s21], [sflag:$0x5], $0x10, $0x38;
	[tilespmem:$0x7600] =	vst v63  }
0x25: {  	_ =	swait.ge [sflag:s22], $0x100  }
0x26: {  	[sflag:s22] =	ssyncset.done $0x0  }
0x27: {  	[sflag:s22] =	ssyncadd.s32 $0xFFFFFF00  }
0x28: {  	_ =	swait.ge [sflag:s22], $0x100  }
0x29: {  	[sflag:s22] =	ssyncset.done $0x0  }
0x2a: {  	[sflag:s22] =	ssyncadd.s32 $0xFFFFFF00  }
0x2b: {  	_ =	swait.ge [sflag:s22], $0x300  }
0x2c: {  	[sflag:s22] =	ssyncset.done $0x0  }
0x2d: {  	[sflag:s22] =	ssyncadd.s32 $0xFFFFFD00  }
0x2e: {  	_ =	swait.ge [sflag:s22], $0x10  }
0x2f: {  	s20 =	sadd.s32 $0x1, s20;
	s24 =	rddreg [dreg:$0x14]  }
0x30: {  	p0 =	sne.s32 s20, s24  }
.Ltmp1:
0x31: {  	_ = 	snop;
	(pc) =	sbr.rel @!p0 .LBB2_28-.Ltmp1, $3  }
0x32: {  	_ =	sdelay $0x1  }
0x33: {  	[sflag:s22] =	ssyncset.done $0x0  }
0x34: {  	[sflag:s22] =	ssyncadd.s32 $0xFFFFFFF0  }
.LBB2_1:
0x35: {  	[dreg:$0x15] =	wrdreg s20  }
0x36: {  	s13 =	rddreg [dreg:$0x2];
	s15 =	simm.s32 $0x7000;
	s24 =	simm.s32 $0x6  }
0x37: {  	[tilespmem:s15], [sflag:$0x6] =	stream.linear.gather [hbm4b:s13+s4], $0x80, $0x38;
	[tilespmem:$0x7600] =	vst v63  }
0x38: {  	_ =	swait.ge [sflag:s24], $0x80  }
0x39: {  	[sflag:s24] =	ssyncset.done $0x0  }
0x3a: {  	[sflag:s24] =	ssyncadd.s32 $0xFFFFFF80  }
0x3b: {  	s13 =	simm.s32 $0x40;
	s15 =	simm.s32 $0x0;
	v7 =	vld [tilespmem:$0x7000]  }
.LBB2_2:
0x3c: {  	p0 =	sne.s32 s13, $0x1FC0;
	[tilespmem:s15+$0x6800] =	vst v2;
	s15 =	smov.u32 s13;
	s13 =	sadd.s32 $0x40, s13  }
.Ltmp2:
0x3d: {  	(pc) =	sbr.rel @p0 .LBB2_2-.Ltmp2, $2  }
0x3e: {  	_ =	sdelay $0x2  }
0x3f: {  	s15 =	sshra.s32 s15, $0x2  }
0x40: {  	(xrf0) =	vmax.scan.msk.f32 $0xffff, v7;
	_ =	sdelay $0x5  }
0x41: {  	v8, _, _ =	vpop (xrf0)  }
0x42: {  	(v2sf) =	vpush v8, $0xF;
	_ =	sdelay $0x2  }
0x43: {  	[tilespmem:s15+$0x6800] =	vst v2;
	s15 =	simm.s32 $0x0;
	s13 =	rddreg [dreg:$0x8]  }
0x44: {  	[tilespmem:s15], [sflag:$0x1] =	stream.linear.gather [hbm4b:s13+s15], $0x800, $0x38;
	[tilespmem:$0x7600] =	vst v63  }
0x45: {  	s17 =	rddreg [dreg:$0x9]  }
0x46: {  	[tilespmem:s25], [sflag:$0x1] =	stream.linear.gather [hbm4b:s17+s15], $0x800, $0x38;
	[tilespmem:$0x7600] =	vst v63  }
0x47: {  	s20 =	rddreg [dreg:$0xa]  }
0x48: {  	[tilespmem:s26], [sflag:$0x1] =	stream.linear.gather [hbm4b:s20+s15], $0x800, $0x38;
	[tilespmem:$0x7600] =	vst v63  }
0x49: {  	s21 =	rddreg [dreg:$0xb]  }
0x4a: {  	[tilespmem:s28], [sflag:$0x1] =	stream.linear.gather [hbm4b:s21+s15], $0x800, $0x38;
	[tilespmem:$0x7600] =	vst v63  }
.Ltmp3:
0x4b: {  	s22 =	rddreg [dreg:$0xc];
	(pc) =	sbr.rel .LBB2_4-.Ltmp3, $4  }
0x4c: {  	[tilespmem:s29], [sflag:$0x1] =	stream.linear.gather [hbm4b:s22+s15], $0x800, $0x38;
	[tilespmem:$0x7600] =	vst v63  }
0x4d: {  	s24 =	rddreg [dreg:$0xe]  }
0x4e: {  	[tilespmem:s30], [sflag:$0x1] =	stream.linear.gather [hbm4b:s24+s15], $0x800, $0x38;
	[tilespmem:$0x7600] =	vst v63  }
0x4f: {  	v9 =	vimm.s32 $0x0;
	v8 =	vimm.s32 $0x0;
	s22 =	simm.s32 $0x0;
	s24 =	simm.s32 $0x0;
	s20 =	spop (v2sf)  }
.LBB2_22:
0x50: {  	s13 =	rddreg [dreg:$0x17]  }
0x51: {  	s13 =	smul.u32 $0x30, s13;
	_ =	sdelay $0x1  }
0x52: {  	v10 =	vadd.s32 s13, v1  }
0x53: {  	v14 =	vadd.s32 s13, v5  }
0x54: {  	s17 =	rddreg [dreg:$0x16];
	v15 =	vadd.s32 s13, v6  }
0x55: {  	[tilespmem:s17+$0x7080] =	vst v17  }
0x56: {  	s22 =	simm.s32 $0x7280;
	[tilespmem:s17+$0x7180] =	vst v20  }
0x57: {  	p0 =	sne.s32 s21, $0x8;
	[tilespmem:v10+s22+$0x0] =	vst.idx.msk $0xffff, v13  }
.Ltmp4:
0x58: {  	[tilespmem:v14+s22+$0x0] =	vst.idx.msk $0xffff, v12;
	(pc) =	sbr.rel @!p0 .LBB2_23-.Ltmp4, $4  }
0x59: {  	[tilespmem:v15+s22+$0x0] =	vst.idx.msk $0xffff, v11  }
0x5a: {  	_ =	swait.ge [sflag:s14], $0x800  }
0x5b: {  	s15 =	simm.s32 $0x7280;
	[sflag:s14] =	ssyncset.done $0x0  }
0x5c: {  	v9 =	vadd.s32 v18, v9;
	s22 =	smov.u32 s21;
	s16 =	rddreg [dreg:$0x7];
	[sflag:s14] =	ssyncadd.s32 $0xFFFFF800  }
.LBB2_4:
0x5d: {  	_ =	swait.ge [sflag:s31], $0x800  }
0x5e: {  	[sflag:s31] =	ssyncset.done $0x0  }
0x5f: {  	[sflag:s31] =	ssyncadd.s32 $0xFFFFF800  }
0x60: {  	_ =	swait.ge [sflag:s31], $0x800  }
0x61: {  	[sflag:s31] =	ssyncset.done $0x0  }
0x62: {  	[sflag:s31] =	ssyncadd.s32 $0xFFFFF800  }
0x63: {  	_ =	swait.ge [sflag:s31], $0x800  }
0x64: {  	[sflag:s31] =	ssyncset.done $0x0  }
0x65: {  	[sflag:s31] =	ssyncadd.s32 $0xFFFFF800  }
0x66: {  	_ =	swait.ge [sflag:s31], $0x800  }
0x67: {  	[sflag:s31] =	ssyncset.done $0x0  }
0x68: {  	[sflag:s31] =	ssyncadd.s32 $0xFFFFF800  }
0x69: {  	s13 =	sshllo.u32 s22, $0x1;
	_ =	swait.ge [sflag:s31], $0x800  }
0x6a: {  	[dreg:$0x17] =	wrdreg s13;
	s13 =	sshll.u32 s13, $0x4;
	[sflag:s31] =	ssyncset.done $0x0  }
0x6b: {  	[dreg:$0x16] =	wrdreg s13;
	s13 =	sor.u32 s16, s13;
	[sflag:s31] =	ssyncadd.s32 $0xFFFFF800  }
0x6c: {  	_ =	swait.ge [sflag:s31], $0x800;
	[dreg:$0x1a] =	wrdreg s13;
	s13 =	sshll.u32 s13, $0x4  }
0x6d: {  	[sflag:s31] =	ssyncset.done $0x0;
	s21 =	sand.u32 $0x1FFFFF00, s13  }
0x6e: {  	s17 =	simm.s32 $0x0;
	[sflag:s31] =	ssyncadd.s32 $0xFFFFF800;
	s15 =	sadd.s32 s1, s21  }
0x6f: {  	[tilespmem:s0], [sflag:$0x2] =	stream.linear.gather [hbm4b:s15+s17], $0x800, $0x38;
	[tilespmem:$0x7600] =	vst v63  }
0x70: {  	s15 =	sadd.s32 s6, s21  }
0x71: {  	[tilespmem:s5], [sflag:$0x2] =	stream.linear.gather [hbm4b:s15+s17], $0x800, $0x38;
	[tilespmem:$0x7600] =	vst v63  }
0x72: {  	s15 =	sadd.s32 s7, s21  }
0x73: {  	[tilespmem:s3], [sflag:$0x2] =	stream.linear.gather [hbm4b:s15+s17], $0x800, $0x38;
	[tilespmem:$0x7600] =	vst v63  }
0x74: {  	[dreg:$0x18] =	wrdreg s21;
	s21 =	sadd.s32 s8, s21  }
0x75: {  	[tilespmem:s23], [sflag:$0x2] =	stream.linear.gather [hbm4b:s21+s17], $0x800, $0x38;
	[tilespmem:$0x7600] =	vst v63  }
0x76: {  	s21 =	sor.u32 $0x80000, s13  }
0x77: {  	s13 =	sor.u32 $0x100000, s13;
	s15 =	sadd.s32 s8, s21  }
0x78: {  	v12 =	vor.u32 s17, v0;
	[tilespmem:s10], [sflag:$0x2] =	stream.linear.gather [hbm4b:s15+s17], $0x800, $0x38;
	[tilespmem:$0x7600] =	vst v63  }
0x79: {  	s13 =	sadd.s32 s8, s13  }
0x7a: {  	[tilespmem:s11], [sflag:$0x2] =	stream.linear.gather [hbm4b:s13+s17], $0x800, $0x38;
	[tilespmem:$0x7600] =	vst v63  }
0x7b: {  	v10 =	vld.idx.msk [tilespmem:v0+s17+$0x0], $0xffff  }
0x7c: {  	v11 =	vld.idx.msk [tilespmem:v0+s25+$0x0], $0xffff  }
0x7d: {  	v13 =	vld.idx.msk [tilespmem:v12+s4+$0x0], $0xffff  }
0x7e: {  	v14 =	vld.idx.msk [tilespmem:v12+s25+$0x0], $0xffff;
	_ =	sdelay $0x3  }
0x7f: {  	v10 =	vsub.f32 v11, v10  }
0x80: {  	v11 =	vsub.f32 v14, v13;
	v13 =	vsub.f32 $0.0e+00, v13;
	_ =	sdelay $0x1  }
0x81: {  	v11 =	vsub.f32 v10, v11;
	v13 =	vmul.f32 $1.442695020e+00, v13;
	_ =	sdelay $0x1  }
0x82: {  	v11 =	vmul.f32 $1.442695020e+00, v11;
	(erf) = vpow2.f32 v13;
	_ =	sdelay $0x1  }
0x83: {  	(erf) = vpow2.f32 v11;
	_ =	sdelay $0x6  }
0x84: {  	v11 =	vpop (erf)  }
0x85: {  	v11 =	vsub.f32 $1.000000000e+00, v11  }
0x86: {  	v16 =	vor.u32 s17, v3;
	v13 =	vpop (erf)  }
0x87: {  	v11 =	vmul.f32 v13, v11  }
0x88: {  	vm0 =	vgt.f32 v13, v7  }
0x89: {  	v15 =	vnsel vm0, $0x0, v11  }
0x8a: {  	v13 =	vld.idx.msk [tilespmem:v12+s26+$0x0], $0xffff;
	[tilespmem:v12+s12+$0x0] =	vst.idx.msk $0xffff, v15  }
0x8b: {  	v11 =	vld.idx.msk [tilespmem:v16+s4+$0x0], $0xffff  }
0x8c: {  	v14 =	vld.idx.msk [tilespmem:v16+s25+$0x0], $0xffff;
	_ =	sdelay $0x4  }
0x8d: {  	v14 =	vsub.f32 v14, v11;
	v11 =	vsub.f32 $0.0e+00, v11;
	_ =	sdelay $0x1  }
0x8e: {  	v14 =	vsub.f32 v10, v14;
	v11 =	vmul.f32 $1.442695020e+00, v11;
	_ =	sdelay $0x1  }
0x8f: {  	v14 =	vmul.f32 $1.442695020e+00, v14;
	(erf) = vpow2.f32 v11;
	_ =	sdelay $0x1  }
0x90: {  	(erf) = vpow2.f32 v14;
	_ =	sdelay $0x6  }
0x91: {  	v14 =	vpop (erf)  }
0x92: {  	s13 =	simm.s32 $0x2;
	v17 =	vsel vm0, $0x1, v4;
	v13 =	vmul.f32 v15, v13;
	v14 =	vsub.f32 $1.000000000e+00, v14  }
0x93: {  	v20 =	vor.u32 s13, v0;
	v19 =	vadd.s32 v17, v8;
	v11 =	vimm.f32 $0.0e+00;
	v24 =	vpop (erf)  }
0x94: {  	v21 =	vld.idx.msk [tilespmem:v16+s26+$0x0], $0xffff;
	v17 =	vadd.f32 v15, v11;
	v18 =	vadd.f32 v13, v11;
	v23 =	vmul.f32 v24, v14  }
0x95: {  	s15 =	simm.s32 $0x4;
	v22 =	vld.idx.msk [tilespmem:v12+s28+$0x0], $0xffff;
	v13 =	vimm.f32 $0.0e+00;
	vm0 =	vgt.f32 v24, v7;
	v14 =	vimm.f32 $0.0e+00  }
.LBB2_5:
0x96: {  	p0 =	sne.s32 s15, $0x7E;
	v24 =	vld.idx.msk [tilespmem:v12+s29+$0x0], $0xffff;
	v23 =	vnsel vm0, $0x0, v23;
	v25 =	vsel vm0, $0x1, v4  }
0x97: {  	v26 =	vld.idx.msk [tilespmem:v12+s30+$0x0], $0xffff;
	[tilespmem:v16+s12+$0x0] =	vst.idx.msk $0xffff, v23;
	v17 =	vadd.f32 v23, v17;
	v19 =	vadd.s32 v25, v19  }
0x98: {  	v12 =	vmov v20;
	v25 =	vld.idx.msk [tilespmem:v20+s4+$0x0], $0xffff  }
0x99: {  	v27 =	vld.idx.msk [tilespmem:v20+s25+$0x0], $0xffff  }
0x9a: {  	v21 =	vmul.f32 v23, v21;
	v20 =	vld.idx.msk [tilespmem:v20+s26+$0x0], $0xffff  }
0x9b: {  	v22 =	vmul.f32 v15, v22;
	v28 =	vld.idx.msk [tilespmem:v16+s28+$0x0], $0xffff  }
0x9c: {  	v24 =	vmul.f32 v15, v24;
	v18 =	vadd.f32 v21, v18;
	v29 =	vld.idx.msk [tilespmem:v16+s29+$0x0], $0xffff  }
0x9d: {  	v11 =	vadd.f32 v22, v11;
	v15 =	vmul.f32 v15, v26;
	v16 =	vld.idx.msk [tilespmem:v16+s30+$0x0], $0xffff  }
0x9e: {  	v14 =	vadd.f32 v24, v14  }
0x9f: {  	v22 =	vsub.f32 $0.0e+00, v25;
	v21 =	vsub.f32 v27, v25  }
0xa0: {  	v13 =	vadd.f32 v15, v13  }
0xa1: {  	v15 =	vsub.f32 v10, v21;
	v21 =	vmul.f32 $1.442695020e+00, v22;
	v22 =	vmul.f32 v23, v28  }
0xa2: {  	v24 =	vmul.f32 v23, v29  }
0xa3: {  	v15 =	vmul.f32 $1.442695020e+00, v15;
	v11 =	vadd.f32 v22, v11;
	(erf) = vpow2.f32 v21  }
0xa4: {  	v16 =	vmul.f32 v23, v16;
	v14 =	vadd.f32 v24, v14  }
0xa5: {  	(erf) = vpow2.f32 v15  }
0xa6: {  	v13 =	vadd.f32 v16, v13;
	_ =	sdelay $0x5  }
0xa7: {  	v15 =	vpop (erf)  }
0xa8: {  	v15 =	vsub.f32 $1.000000000e+00, v15  }
0xa9: {  	v16 =	vor.u32 s13, v3;
	s13 =	smov.u32 s15;
	v21 =	vpop (erf)  }
0xaa: {  	v15 =	vmul.f32 v21, v15  }
0xab: {  	vm0 =	vgt.f32 v21, v7  }
0xac: {  	v21 =	vsel vm0, $0x1, v4;
	v15 =	vnsel vm0, $0x0, v15  }
0xad: {  	v19 =	vadd.s32 v21, v19;
	[tilespmem:v12+s12+$0x0] =	vst.idx.msk $0xffff, v15;
	v20 =	vmul.f32 v15, v20  }
0xae: {  	v17 =	vadd.f32 v15, v17;
	v21 =	vld.idx.msk [tilespmem:v16+s4+$0x0], $0xffff  }
0xaf: {  	v18 =	vadd.f32 v20, v18;
	v20 =	vld.idx.msk [tilespmem:v16+s25+$0x0], $0xffff;
	_ =	sdelay $0x5  }
0xb0: {  	v20 =	vsub.f32 v20, v21;
	v21 =	vsub.f32 $0.0e+00, v21;
	_ =	sdelay $0x1  }
0xb1: {  	v20 =	vsub.f32 v10, v20;
	v21 =	vmul.f32 $1.442695020e+00, v21;
	_ =	sdelay $0x1  }
0xb2: {  	v20 =	vmul.f32 $1.442695020e+00, v20;
	(erf) = vpow2.f32 v21;
	_ =	sdelay $0x1  }
0xb3: {  	(erf) = vpow2.f32 v20;
	_ =	sdelay $0x6  }
.Ltmp5:
0xb4: {  	v20 =	vpop (erf);
	(pc) =	sbr.rel @p0 .LBB2_5-.Ltmp5, $4  }
0xb5: {  	v22 =	vsub.f32 $1.000000000e+00, v20  }
0xb6: {  	v20 =	vor.u32 s15, v0;
	v24 =	vpop (erf)  }
0xb7: {  	v21 =	vld.idx.msk [tilespmem:v16+s26+$0x0], $0xffff;
	v23 =	vmul.f32 v24, v22  }
0xb8: {  	s15 =	sadd.s32 $0x2, s15;
	vm0 =	vgt.f32 v24, v7;
	v22 =	vld.idx.msk [tilespmem:v12+s28+$0x0], $0xffff  }
0xb9: {  	_ =	sdelay $0x3  }
0xba: {  	v24 =	vld.idx.msk [tilespmem:v12+s29+$0x0], $0xffff;
	v23 =	vnsel vm0, $0x0, v23  }
0xbb: {  	v12 =	vld.idx.msk [tilespmem:v12+s30+$0x0], $0xffff;
	[tilespmem:v16+s12+$0x0] =	vst.idx.msk $0xffff, v23  }
0xbc: {  	v25 =	vld.idx.msk [tilespmem:v20+s4+$0x0], $0xffff  }
0xbd: {  	v26 =	vld.idx.msk [tilespmem:v20+s25+$0x0], $0xffff;
	_ =	sdelay $0x4  }
0xbe: {  	v26 =	vsub.f32 v26, v25;
	v25 =	vsub.f32 $0.0e+00, v25;
	_ =	sdelay $0x1  }
0xbf: {  	v26 =	vsub.f32 v10, v26;
	v25 =	vmul.f32 $1.442695020e+00, v25;
	_ =	sdelay $0x1  }
0xc0: {  	v26 =	vmul.f32 $1.442695020e+00, v26;
	(erf) = vpow2.f32 v25;
	_ =	sdelay $0x1  }
0xc1: {  	(erf) = vpow2.f32 v26;
	_ =	sdelay $0x6  }
0xc2: {  	v25 =	vpop (erf)  }
0xc3: {  	v25 =	vsub.f32 $1.000000000e+00, v25  }
0xc4: {  	v27 =	vor.u32 s13, v3;
	v28 =	vpop (erf)  }
0xc5: {  	v58 =	vld.idx.msk [tilespmem:v20+s26+$0x0], $0xffff;
	v25 =	vmul.f32 v28, v25  }
0xc6: {  	v29 =	vld.idx.msk [tilespmem:v16+s28+$0x0], $0xffff;
	vm1 =	vgt.f32 v28, v7  }
0xc7: {  	v30 =	vld.idx.msk [tilespmem:v16+s29+$0x0], $0xffff;
	v25 =	vnsel vm1, $0x0, v25  }
0xc8: {  	v16 =	vld.idx.msk [tilespmem:v16+s30+$0x0], $0xffff;
	[tilespmem:v20+s12+$0x0] =	vst.idx.msk $0xffff, v25  }
0xc9: {  	v59 =	vld.idx.msk [tilespmem:v27+s4+$0x0], $0xffff  }
0xca: {  	v31 =	vld.idx.msk [tilespmem:v27+s25+$0x0], $0xffff;
	_ =	sdelay $0x4  }
0xcb: {  	v31 =	vsub.f32 v31, v59  }
0xcc: {  	v28 =	vsub.f32 $0.0e+00, v59  }
0xcd: {  	v31 =	vsub.f32 v10, v31  }
0xce: {  	v28 =	vmul.f32 $1.442695020e+00, v28  }
0xcf: {  	v31 =	vmul.f32 $1.442695020e+00, v31  }
0xd0: {  	(erf) = vpow2.f32 v28  }
0xd1: {  	(erf) = vpow2.f32 v31;
	_ =	sdelay $0x7  }
0xd2: {  	v28 =	vpop (erf)  }
0xd3: {  	v31 =	vpop (erf)  }
0xd4: {  	(xrf0) =	vmax.scan.msk.f32 $0xffff, v31;
	_ =	sdelay $0x5  }
0xd5: {  	v32, _, _ =	vpop (xrf0)  }
0xd6: {  	(v2sf) =	vpush v32, $0xF  }
0xd7: {  	v21 =	vmul.f32 v23, v21;
	v28 =	vsub.f32 $1.000000000e+00, v28  }
0xd8: {  	v22 =	vmul.f32 v15, v22  }
0xd9: {  	v18 =	vadd.f32 v21, v18;
	v21 =	vmul.f32 v15, v24;
	v60 =	vld.idx.msk [tilespmem:v27+s26+$0x0], $0xffff;
	v28 =	vmul.f32 v31, v28  }
0xda: {  	v33 =	vsel vm0, $0x1, v4;
	v12 =	vmul.f32 v15, v12;
	v34 =	vld.idx.msk [tilespmem:v20+s28+$0x0], $0xffff;
	vm15 =	vgt.f32 v31, v7  }
0xdb: {  	v11 =	vadd.f32 v22, v11;
	v14 =	vadd.f32 v21, v14;
	v61 =	vld.idx.msk [tilespmem:v20+s29+$0x0], $0xffff;
	v62 =	vnsel vm15, $0x0, v28  }
0xdc: {  	v15 =	vmul.f32 v23, v29;
	v21 =	vmul.f32 v23, v30;
	v20 =	vld.idx.msk [tilespmem:v20+s30+$0x0], $0xffff;
	[tilespmem:v27+s12+$0x0] =	vst.idx.msk $0xffff, v62  }
0xdd: {  	v12 =	vadd.f32 v12, v13;
	v13 =	vadd.f32 v23, v17;
	v16 =	vmul.f32 v23, v16;
	v22 =	vld.idx.msk [tilespmem:v27+s28+$0x0], $0xffff  }
0xde: {  	v19 =	vadd.s32 v33, v19;
	v11 =	vadd.f32 v15, v11;
	v14 =	vadd.f32 v21, v14;
	v17 =	vld.idx.msk [tilespmem:v27+s29+$0x0], $0xffff  }
0xdf: {  	v12 =	vadd.f32 v16, v12;
	v63 =	vsel vm1, $0x1, v4;
	v15 =	vmul.f32 v25, v58;
	v21 =	vld.idx.msk [tilespmem:v27+s30+$0x0], $0xffff  }
0xe0: {  	s15 =	sshll.u32 s22, $0x5;
	v16 =	vadd.s32 v63, v19;
	v19 =	vmul.f32 v25, v34;
	v23 =	vmul.f32 v25, v61  }
0xe1: {  	s17 =	sor.u32 s16, s15;
	v13 =	vadd.f32 v25, v13;
	v15 =	vadd.f32 v15, v18  }
.Ltmp6:
0xe2: {  	s16 =	sshll.u32 s17, $0x4;
	v20 =	vmul.f32 v25, v20;
	v11 =	vadd.f32 v19, v11;
	v19 =	vadd.f32 v23, v14;
	(pc) =	sbr.rel .LBB2_7-.Ltmp6, $4  }
0xe3: {  	s16 =	sadd.s32 s2, s16;
	v18 =	vadd.f32 v62, v13;
	v13 =	vmul.f32 v62, v60;
	v14 =	vmul.f32 v62, v22  }
0xe4: {  	[hbm4b:s16+s4] =	stream.linear.scatter [tilespmem:s12], [sflag:$0x3], $0x800, $0x38;
	v22 =	vadd.f32 v20, v12;
	v12 =	vmul.f32 v62, v17;
	v17 =	vmul.f32 v62, v21;
	[tilespmem:$0x7600] =	vst v63  }
0xe5: {  	[dreg:$0x19] =	wrdreg s22;
	v21 =	vsel vm15, $0x1, v4;
	v20 =	vadd.f32 v13, v15;
	v13 =	vadd.f32 v14, v11;
	s21 =	spop (v2sf)  }
0xe6: {  	s13 =	simm.s32 $0x1;
	s22 =	sshll.u32 s17, $0x7;
	v14 =	vadd.s32 v21, v16;
	v12 =	vadd.f32 v12, v19;
	v11 =	vadd.f32 v17, v22;
	p0 =	sgt.f32 s21, s20  }
.LBB2_11:
0xe7: {  	s16 =	sshrl.u32 s16, $0x3  }
0xe8: {  	s24 =	sadd.s32 $0x1, s24;
	p0 =	por $0x0, $0x0;
	s16 =	sadd.s32 s2, s16  }
0xe9: {  	[hbm4b:s16+s4] =	stream.linear.scatter [tilespmem:s9], [sflag:$0x4], $0x800, $0x38;
	[tilespmem:$0x7600] =	vst v63  }
.LBB2_12:
0xea: {  	s13 =	sadd.s32 $0x1, s13  }
0xeb: {  	p1 =	sne.s32 s13, $0x4  }
.Ltmp7:
0xec: {  	_ = 	snop;
	(pc) =	sbr.rel @!p1 .LBB2_13-.Ltmp7, $1  }
0xed: {  	_ =	sdelay $0x3  }
.LBB2_7:
.Ltmp8:
0xee: {  	(pc) =	sbr.rel @!p0 .LBB2_11-.Ltmp8, $3  }
0xef: {  	_ =	sdelay $0x1  }
0xf0: {  	s16 =	sshll.u32 s13, $0x14  }
0xf1: {  	s16 =	sadd.s32 s22, s16  }
0xf2: {  	_ =	swait.ge [sflag:s14], $0x800  }
0xf3: {  	s16 =	sshrl.u32 s16, $0x3;
	[sflag:s14] =	ssyncset.done $0x0  }
0xf4: {  	s21 =	simm.s32 $0x0;
	s17 =	sadd.s32 s1, s16;
	[sflag:s14] =	ssyncadd.s32 $0xFFFFF800  }
0xf5: {  	[tilespmem:s21], [sflag:$0x1] =	stream.linear.gather [hbm4b:s17+s21], $0x800, $0x38;
	[tilespmem:$0x7600] =	vst v63  }
0xf6: {  	s17 =	sadd.s32 s6, s16  }
0xf7: {  	[tilespmem:s25], [sflag:$0x1] =	stream.linear.gather [hbm4b:s17+s21], $0x800, $0x38;
	[tilespmem:$0x7600] =	vst v63  }
0xf8: {  	s17 =	sadd.s32 s7, s16  }
0xf9: {  	[tilespmem:s26], [sflag:$0x1] =	stream.linear.gather [hbm4b:s17+s21], $0x800, $0x38;
	[tilespmem:$0x7600] =	vst v63  }
0xfa: {  	s17 =	sadd.s32 s8, s16  }
0xfb: {  	[tilespmem:s28], [sflag:$0x1] =	stream.linear.gather [hbm4b:s17+s21], $0x800, $0x38;
	[tilespmem:$0x7600] =	vst v63  }
0xfc: {  	s17 =	sor.u32 $0x80000, s16  }
0xfd: {  	s17 =	sadd.s32 s8, s17  }
0xfe: {  	[tilespmem:s29], [sflag:$0x1] =	stream.linear.gather [hbm4b:s17+s21], $0x800, $0x38;
	[tilespmem:$0x7600] =	vst v63  }
0xff: {  	s17 =	sor.u32 $0x100000, s16  }
0x100: {  	s17 =	sadd.s32 s8, s17  }
0x101: {  	[tilespmem:s30], [sflag:$0x1] =	stream.linear.gather [hbm4b:s17+s21], $0x800, $0x38;
	[tilespmem:$0x7600] =	vst v63  }
0x102: {  	_ =	swait.ge [sflag:s31], $0x800  }
0x103: {  	[sflag:s31] =	ssyncset.done $0x0  }
0x104: {  	[sflag:s31] =	ssyncadd.s32 $0xFFFFF800  }
0x105: {  	_ =	swait.ge [sflag:s31], $0x800  }
0x106: {  	[sflag:s31] =	ssyncset.done $0x0  }
0x107: {  	[sflag:s31] =	ssyncadd.s32 $0xFFFFF800  }
0x108: {  	_ =	swait.ge [sflag:s31], $0x800  }
0x109: {  	[sflag:s31] =	ssyncset.done $0x0  }
0x10a: {  	[sflag:s31] =	ssyncadd.s32 $0xFFFFF800  }
0x10b: {  	_ =	swait.ge [sflag:s31], $0x800  }
0x10c: {  	[sflag:s31] =	ssyncset.done $0x0  }
0x10d: {  	[sflag:s31] =	ssyncadd.s32 $0xFFFFF800  }
0x10e: {  	_ =	swait.ge [sflag:s31], $0x800  }
0x10f: {  	v15 =	vor.u32 s21, v0;
	[sflag:s31] =	ssyncset.done $0x0  }
0x110: {  	[sflag:s31] =	ssyncadd.s32 $0xFFFFF800  }
0x111: {  	_ =	swait.ge [sflag:s31], $0x800  }
0x112: {  	[sflag:s31] =	ssyncset.done $0x0  }
0x113: {  	[sflag:s31] =	ssyncadd.s32 $0xFFFFF800  }
0x114: {  	v16 =	vld.idx.msk [tilespmem:v15+s4+$0x0], $0xffff  }
0x115: {  	v17 =	vld.idx.msk [tilespmem:v15+s25+$0x0], $0xffff;
	_ =	sdelay $0x4  }
0x116: {  	v17 =	vsub.f32 v17, v16;
	v16 =	vsub.f32 $0.0e+00, v16;
	_ =	sdelay $0x1  }
0x117: {  	v17 =	vsub.f32 v10, v17;
	v16 =	vmul.f32 $1.442695020e+00, v16;
	_ =	sdelay $0x1  }
0x118: {  	v17 =	vmul.f32 $1.442695020e+00, v17;
	(erf) = vpow2.f32 v16;
	_ =	sdelay $0x1  }
0x119: {  	(erf) = vpow2.f32 v17;
	_ =	sdelay $0x6  }
0x11a: {  	v16 =	vpop (erf)  }
0x11b: {  	v16 =	vsub.f32 $1.000000000e+00, v16  }
0x11c: {  	v17 =	vor.u32 s21, v3;
	v19 =	vpop (erf)  }
0x11d: {  	v16 =	vmul.f32 v19, v16  }
0x11e: {  	vm0 =	vgt.f32 v19, v7  }
0x11f: {  	v16 =	vnsel vm0, $0x0, v16  }
0x120: {  	v19 =	vld.idx.msk [tilespmem:v15+s26+$0x0], $0xffff;
	[tilespmem:v15+s12+$0x0] =	vst.idx.msk $0xffff, v16  }
0x121: {  	v21 =	vld.idx.msk [tilespmem:v17+s4+$0x0], $0xffff  }
0x122: {  	v22 =	vld.idx.msk [tilespmem:v17+s25+$0x0], $0xffff;
	_ =	sdelay $0x4  }
0x123: {  	v22 =	vsub.f32 v22, v21;
	v21 =	vsub.f32 $0.0e+00, v21;
	_ =	sdelay $0x1  }
0x124: {  	v22 =	vsub.f32 v10, v22;
	v21 =	vmul.f32 $1.442695020e+00, v21;
	_ =	sdelay $0x1  }
0x125: {  	v22 =	vmul.f32 $1.442695020e+00, v22;
	(erf) = vpow2.f32 v21;
	_ =	sdelay $0x1  }
0x126: {  	(erf) = vpow2.f32 v22;
	_ =	sdelay $0x6  }
0x127: {  	v21 =	vmul.f32 v16, v19;
	v22 =	vsel vm0, $0x1, v4;
	v19 =	vpop (erf)  }
0x128: {  	s17 =	simm.s32 $0x2;
	v23 =	vsub.f32 $1.000000000e+00, v19;
	v19 =	vadd.s32 v22, v14  }
0x129: {  	v14 =	vadd.f32 v16, v18;
	v18 =	vadd.f32 v21, v20;
	v20 =	vor.u32 s17, v0;
	v24 =	vpop (erf)  }
0x12a: {  	v21 =	vld.idx.msk [tilespmem:v17+s26+$0x0], $0xffff;
	v23 =	vmul.f32 v24, v23  }
0x12b: {  	s21 =	simm.s32 $0x4;
	v22 =	vld.idx.msk [tilespmem:v15+s28+$0x0], $0xffff;
	vm0 =	vgt.f32 v24, v7  }
.LBB2_9:
0x12c: {  	p0 =	sne.s32 s21, $0x7E;
	v24 =	vld.idx.msk [tilespmem:v15+s29+$0x0], $0xffff;
	v23 =	vnsel vm0, $0x0, v23;
	v25 =	vsel vm0, $0x1, v4  }
0x12d: {  	v26 =	vld.idx.msk [tilespmem:v15+s30+$0x0], $0xffff;
	[tilespmem:v17+s12+$0x0] =	vst.idx.msk $0xffff, v23;
	v14 =	vadd.f32 v23, v14;
	v19 =	vadd.s32 v25, v19  }
0x12e: {  	v15 =	vmov v20;
	v25 =	vld.idx.msk [tilespmem:v20+s4+$0x0], $0xffff  }
0x12f: {  	v27 =	vld.idx.msk [tilespmem:v20+s25+$0x0], $0xffff  }
0x130: {  	v21 =	vmul.f32 v23, v21;
	v20 =	vld.idx.msk [tilespmem:v20+s26+$0x0], $0xffff  }
0x131: {  	v22 =	vmul.f32 v16, v22;
	v28 =	vld.idx.msk [tilespmem:v17+s28+$0x0], $0xffff  }
0x132: {  	v24 =	vmul.f32 v16, v24;
	v18 =	vadd.f32 v21, v18;
	v29 =	vld.idx.msk [tilespmem:v17+s29+$0x0], $0xffff  }
0x133: {  	v13 =	vadd.f32 v22, v13;
	v16 =	vmul.f32 v16, v26;
	v17 =	vld.idx.msk [tilespmem:v17+s30+$0x0], $0xffff  }
0x134: {  	v12 =	vadd.f32 v24, v12  }
0x135: {  	v22 =	vsub.f32 $0.0e+00, v25;
	v21 =	vsub.f32 v27, v25  }
0x136: {  	v11 =	vadd.f32 v16, v11  }
0x137: {  	v16 =	vsub.f32 v10, v21;
	v21 =	vmul.f32 $1.442695020e+00, v22;
	v22 =	vmul.f32 v23, v28  }
0x138: {  	v24 =	vmul.f32 v23, v29  }
0x139: {  	v16 =	vmul.f32 $1.442695020e+00, v16;
	v13 =	vadd.f32 v22, v13;
	(erf) = vpow2.f32 v21  }
0x13a: {  	v17 =	vmul.f32 v23, v17;
	v12 =	vadd.f32 v24, v12  }
0x13b: {  	(erf) = vpow2.f32 v16  }
0x13c: {  	v11 =	vadd.f32 v17, v11;
	_ =	sdelay $0x5  }
0x13d: {  	v16 =	vpop (erf)  }
0x13e: {  	v16 =	vsub.f32 $1.000000000e+00, v16  }
0x13f: {  	v17 =	vor.u32 s17, v3;
	s17 =	smov.u32 s21;
	v21 =	vpop (erf)  }
0x140: {  	v16 =	vmul.f32 v21, v16  }
0x141: {  	vm0 =	vgt.f32 v21, v7  }
0x142: {  	v21 =	vsel vm0, $0x1, v4;
	v16 =	vnsel vm0, $0x0, v16  }
0x143: {  	v19 =	vadd.s32 v21, v19;
	[tilespmem:v15+s12+$0x0] =	vst.idx.msk $0xffff, v16;
	v20 =	vmul.f32 v16, v20  }
0x144: {  	v14 =	vadd.f32 v16, v14;
	v21 =	vld.idx.msk [tilespmem:v17+s4+$0x0], $0xffff  }
0x145: {  	v18 =	vadd.f32 v20, v18;
	v20 =	vld.idx.msk [tilespmem:v17+s25+$0x0], $0xffff;
	_ =	sdelay $0x5  }
0x146: {  	v20 =	vsub.f32 v20, v21;
	v21 =	vsub.f32 $0.0e+00, v21;
	_ =	sdelay $0x1  }
0x147: {  	v20 =	vsub.f32 v10, v20;
	v21 =	vmul.f32 $1.442695020e+00, v21;
	_ =	sdelay $0x1  }
0x148: {  	v20 =	vmul.f32 $1.442695020e+00, v20;
	(erf) = vpow2.f32 v21;
	_ =	sdelay $0x1  }
0x149: {  	(erf) = vpow2.f32 v20;
	_ =	sdelay $0x6  }
.Ltmp9:
0x14a: {  	v20 =	vpop (erf);
	(pc) =	sbr.rel @p0 .LBB2_9-.Ltmp9, $4  }
0x14b: {  	v22 =	vsub.f32 $1.000000000e+00, v20  }
0x14c: {  	v20 =	vor.u32 s21, v0;
	v24 =	vpop (erf)  }
0x14d: {  	v21 =	vld.idx.msk [tilespmem:v17+s26+$0x0], $0xffff;
	v23 =	vmul.f32 v24, v22  }
0x14e: {  	s21 =	sadd.s32 $0x2, s21;
	vm0 =	vgt.f32 v24, v7;
	v22 =	vld.idx.msk [tilespmem:v15+s28+$0x0], $0xffff  }
0x14f: {  	_ =	sdelay $0x3  }
0x150: {  	v24 =	vld.idx.msk [tilespmem:v15+s29+$0x0], $0xffff;
	v23 =	vnsel vm0, $0x0, v23  }
0x151: {  	v15 =	vld.idx.msk [tilespmem:v15+s30+$0x0], $0xffff;
	[tilespmem:v17+s12+$0x0] =	vst.idx.msk $0xffff, v23  }
0x152: {  	v25 =	vld.idx.msk [tilespmem:v20+s4+$0x0], $0xffff  }
0x153: {  	v26 =	vld.idx.msk [tilespmem:v20+s25+$0x0], $0xffff;
	_ =	sdelay $0x4  }
0x154: {  	v26 =	vsub.f32 v26, v25;
	v25 =	vsub.f32 $0.0e+00, v25;
	_ =	sdelay $0x1  }
0x155: {  	v26 =	vsub.f32 v10, v26;
	v25 =	vmul.f32 $1.442695020e+00, v25;
	_ =	sdelay $0x1  }
0x156: {  	v26 =	vmul.f32 $1.442695020e+00, v26;
	(erf) = vpow2.f32 v25;
	_ =	sdelay $0x1  }
0x157: {  	(erf) = vpow2.f32 v26;
	_ =	sdelay $0x6  }
0x158: {  	v25 =	vpop (erf)  }
0x159: {  	v25 =	vsub.f32 $1.000000000e+00, v25  }
0x15a: {  	v27 =	vor.u32 s17, v3;
	v28 =	vpop (erf)  }
0x15b: {  	v58 =	vld.idx.msk [tilespmem:v20+s26+$0x0], $0xffff;
	v25 =	vmul.f32 v28, v25  }
0x15c: {  	v29 =	vld.idx.msk [tilespmem:v17+s28+$0x0], $0xffff;
	vm1 =	vgt.f32 v28, v7  }
0x15d: {  	v30 =	vld.idx.msk [tilespmem:v17+s29+$0x0], $0xffff;
	v25 =	vnsel vm1, $0x0, v25  }
0x15e: {  	v17 =	vld.idx.msk [tilespmem:v17+s30+$0x0], $0xffff;
	[tilespmem:v20+s12+$0x0] =	vst.idx.msk $0xffff, v25  }
0x15f: {  	v59 =	vld.idx.msk [tilespmem:v27+s4+$0x0], $0xffff  }
0x160: {  	v31 =	vld.idx.msk [tilespmem:v27+s25+$0x0], $0xffff;
	_ =	sdelay $0x4  }
0x161: {  	v31 =	vsub.f32 v31, v59  }
0x162: {  	v28 =	vsub.f32 $0.0e+00, v59  }
0x163: {  	v31 =	vsub.f32 v10, v31  }
0x164: {  	v28 =	vmul.f32 $1.442695020e+00, v28  }
0x165: {  	v31 =	vmul.f32 $1.442695020e+00, v31  }
0x166: {  	(erf) = vpow2.f32 v28  }
0x167: {  	(erf) = vpow2.f32 v31;
	_ =	sdelay $0x7  }
0x168: {  	v28 =	vpop (erf)  }
0x169: {  	v31 =	vpop (erf)  }
0x16a: {  	(xrf0) =	vmax.scan.msk.f32 $0xffff, v31;
	_ =	sdelay $0x5  }
0x16b: {  	v32, _, _ =	vpop (xrf0)  }
0x16c: {  	(v2sf) =	vpush v32, $0xF  }
0x16d: {  	v21 =	vmul.f32 v23, v21;
	v28 =	vsub.f32 $1.000000000e+00, v28  }
0x16e: {  	v22 =	vmul.f32 v16, v22  }
0x16f: {  	v18 =	vadd.f32 v21, v18;
	v21 =	vmul.f32 v16, v24;
	v60 =	vld.idx.msk [tilespmem:v27+s26+$0x0], $0xffff;
	v28 =	vmul.f32 v31, v28  }
0x170: {  	v33 =	vsel vm0, $0x1, v4;
	v15 =	vmul.f32 v16, v15;
	v34 =	vld.idx.msk [tilespmem:v20+s28+$0x0], $0xffff;
	vm15 =	vgt.f32 v31, v7  }
0x171: {  	v13 =	vadd.f32 v22, v13;
	v12 =	vadd.f32 v21, v12;
	v61 =	vld.idx.msk [tilespmem:v20+s29+$0x0], $0xffff;
	v62 =	vnsel vm15, $0x0, v28  }
0x172: {  	v16 =	vmul.f32 v23, v29;
	v21 =	vmul.f32 v23, v30;
	v20 =	vld.idx.msk [tilespmem:v20+s30+$0x0], $0xffff;
	[tilespmem:v27+s12+$0x0] =	vst.idx.msk $0xffff, v62  }
0x173: {  	v14 =	vadd.f32 v23, v14;
	v11 =	vadd.f32 v15, v11;
	v15 =	vmul.f32 v23, v17;
	v22 =	vld.idx.msk [tilespmem:v27+s28+$0x0], $0xffff  }
0x174: {  	v19 =	vadd.s32 v33, v19;
	v13 =	vadd.f32 v16, v13;
	v12 =	vadd.f32 v21, v12;
	v17 =	vld.idx.msk [tilespmem:v27+s29+$0x0], $0xffff  }
0x175: {  	v11 =	vadd.f32 v15, v11;
	v63 =	vsel vm1, $0x1, v4;
	v16 =	vmul.f32 v25, v58;
	v21 =	vld.idx.msk [tilespmem:v27+s30+$0x0], $0xffff  }
0x176: {  	v15 =	vadd.s32 v63, v19;
	v19 =	vmul.f32 v25, v34;
	v23 =	vmul.f32 v25, v61  }
0x177: {  	v14 =	vadd.f32 v25, v14;
	v16 =	vadd.f32 v16, v18  }
.Ltmp10:
0x178: {  	v20 =	vmul.f32 v25, v20;
	v13 =	vadd.f32 v19, v13;
	v12 =	vadd.f32 v23, v12;
	(pc) =	sbr.rel .LBB2_12-.Ltmp10, $4  }
0x179: {  	s16 =	sadd.s32 s2, s16;
	v18 =	vadd.f32 v62, v14;
	v14 =	vmul.f32 v62, v60;
	v19 =	vmul.f32 v62, v22  }
0x17a: {  	v11 =	vadd.f32 v20, v11;
	[hbm4b:s16+s4] =	stream.linear.scatter [tilespmem:s12], [sflag:$0x3], $0x800, $0x38;
	v17 =	vmul.f32 v62, v17;
	v21 =	vmul.f32 v62, v21;
	[tilespmem:$0x7600] =	vst v63  }
0x17b: {  	v20 =	vadd.f32 v14, v16;
	v22 =	vsel vm15, $0x1, v4;
	v13 =	vadd.f32 v19, v13;
	s21 =	spop (v2sf)  }
0x17c: {  	v14 =	vadd.s32 v22, v15;
	v12 =	vadd.f32 v17, v12;
	v11 =	vadd.f32 v21, v11;
	p0 =	sgt.f32 s21, s20  }
.LBB2_13:
0x17d: {  	s22 =	rddreg [dreg:$0x19]  }
0x17e: {  	s13 =	smul.u32 $0x60, s22;
	_ =	sdelay $0x1  }
0x17f: {  	v10 =	vadd.s32 s13, v1  }
0x180: {  	v15 =	vadd.s32 s13, v5  }
0x181: {  	v16 =	vadd.s32 s13, v6  }
0x182: {  	[tilespmem:s15+$0x7080] =	vst v18  }
0x183: {  	[tilespmem:s15+$0x7180] =	vst v20;
	s17 =	simm.s32 $0x7280  }
0x184: {  	[tilespmem:v10+s17+$0x0] =	vst.idx.msk $0xffff, v13  }
0x185: {  	[tilespmem:v15+s17+$0x0] =	vst.idx.msk $0xffff, v12  }
0x186: {  	[tilespmem:v16+s17+$0x0] =	vst.idx.msk $0xffff, v11  }
0x187: {  	_ =	swait.ge [sflag:s14], $0x800  }
0x188: {  	[sflag:s14] =	ssyncset.done $0x0  }
0x189: {  	[sflag:s14] =	ssyncadd.s32 $0xFFFFF800  }
0x18a: {  	_ =	swait.ge [sflag:s18], $0x800  }
0x18b: {  	[sflag:s18] =	ssyncset.done $0x0  }
0x18c: {  	[sflag:s18] =	ssyncadd.s32 $0xFFFFF800  }
0x18d: {  	_ =	swait.ge [sflag:s18], $0x800  }
0x18e: {  	[sflag:s18] =	ssyncset.done $0x0  }
0x18f: {  	[sflag:s18] =	ssyncadd.s32 $0xFFFFF800  }
0x190: {  	_ =	swait.ge [sflag:s18], $0x800  }
0x191: {  	[sflag:s18] =	ssyncset.done $0x0  }
0x192: {  	[sflag:s18] =	ssyncadd.s32 $0xFFFFF800  }
0x193: {  	_ =	swait.ge [sflag:s18], $0x800  }
0x194: {  	[sflag:s18] =	ssyncset.done $0x0  }
0x195: {  	[sflag:s18] =	ssyncadd.s32 $0xFFFFF800  }
0x196: {  	_ =	swait.ge [sflag:s18], $0x800  }
0x197: {  	p0 =	seq.s32 s22, $0x7;
	[sflag:s18] =	ssyncset.done $0x0;
	s13 =	rddreg [dreg:$0xf]  }
0x198: {  	[sflag:s18] =	ssyncadd.s32 $0xFFFFF800;
	s13 =	sadd.s32 @!p0 s15, s13  }
0x199: {  	_ =	swait.ge [sflag:s18], $0x800;
	s13 =	sshll.u32 @!p0 s13, $0x4  }
0x19a: {  	[sflag:s18] =	ssyncset.done $0x0;
	s15 =	sand.u32 @!p0 $0x1FFFFE00, s13  }
0x19b: {  	s17 =	simm.s32 @!p0 $0x0;
	[sflag:s18] =	ssyncadd.s32 $0xFFFFF800;
	s16 =	sadd.s32 @!p0 s1, s15  }
0x19c: {  	[tilespmem:s17], [sflag:$0x1] =	stream.linear.gather @!p0 [hbm4b:s16+s17], $0x800, $0x38;
	[tilespmem:$0x7600] =	vst v63  }
0x19d: {  	s21 =	simm.s32 @!p0 $0x800;
	s16 =	sadd.s32 @!p0 s6, s15  }
0x19e: {  	[tilespmem:s21], [sflag:$0x1] =	stream.linear.gather @!p0 [hbm4b:s16+s17], $0x800, $0x38;
	[tilespmem:$0x7600] =	vst v63  }
0x19f: {  	s16 =	sadd.s32 @!p0 s7, s15;
	s21 =	simm.s32 @!p0 $0x1000  }
0x1a0: {  	[tilespmem:s21], [sflag:$0x1] =	stream.linear.gather @!p0 [hbm4b:s16+s17], $0x800, $0x38;
	[tilespmem:$0x7600] =	vst v63  }
0x1a1: {  	s15 =	sadd.s32 @!p0 s8, s15;
	s16 =	simm.s32 @!p0 $0x1800  }
0x1a2: {  	[tilespmem:s16], [sflag:$0x1] =	stream.linear.gather @!p0 [hbm4b:s15+s17], $0x800, $0x38;
	[tilespmem:$0x7600] =	vst v63  }
0x1a3: {  	s15 =	sor.u32 @!p0 $0x80000, s13  }
0x1a4: {  	s21 =	simm.s32 $0x0;
	s16 =	simm.s32 @!p0 $0x2000;
	s15 =	sadd.s32 @!p0 s8, s15  }
0x1a5: {  	[tilespmem:s16], [sflag:$0x1] =	stream.linear.gather @!p0 [hbm4b:s15+s17], $0x800, $0x38;
	[tilespmem:$0x7600] =	vst v63  }
0x1a6: {  	v12 =	vor.u32 s21, v0;
	s15 =	rddreg [dreg:$0xd]  }
0x1a7: {  	s13 =	sadd.s32 @!p0 s13, s15;
	s15 =	simm.s32 @!p0 $0x2800  }
0x1a8: {  	[tilespmem:s15], [sflag:$0x1] =	stream.linear.gather @!p0 [hbm4b:s13+s17], $0x800, $0x38;
	[tilespmem:$0x7600] =	vst v63  }
0x1a9: {  	v10 =	vld.idx.msk [tilespmem:v0+s0+$0x0], $0xffff  }
0x1aa: {  	v11 =	vld.idx.msk [tilespmem:v0+s5+$0x0], $0xffff  }
0x1ab: {  	v13 =	vld.idx.msk [tilespmem:v12+s0+$0x0], $0xffff  }
0x1ac: {  	v15 =	vld.idx.msk [tilespmem:v12+s5+$0x0], $0xffff;
	_ =	sdelay $0x3  }
0x1ad: {  	v10 =	vsub.f32 v11, v10  }
0x1ae: {  	v11 =	vsub.f32 v15, v13;
	v13 =	vsub.f32 $0.0e+00, v13;
	_ =	sdelay $0x1  }
0x1af: {  	v11 =	vsub.f32 v10, v11;
	v13 =	vmul.f32 $1.442695020e+00, v13;
	_ =	sdelay $0x1  }
0x1b0: {  	v11 =	vmul.f32 $1.442695020e+00, v11;
	(erf) = vpow2.f32 v13;
	_ =	sdelay $0x1  }
0x1b1: {  	(erf) = vpow2.f32 v11;
	_ =	sdelay $0x6  }
0x1b2: {  	v11 =	vpop (erf)  }
0x1b3: {  	v11 =	vsub.f32 $1.000000000e+00, v11  }
0x1b4: {  	v16 =	vor.u32 s21, v3;
	v13 =	vpop (erf)  }
0x1b5: {  	v11 =	vmul.f32 v13, v11  }
0x1b6: {  	vm0 =	vgt.f32 v13, v7  }
0x1b7: {  	v15 =	vnsel vm0, $0x0, v11  }
0x1b8: {  	v13 =	vld.idx.msk [tilespmem:v12+s3+$0x0], $0xffff;
	[tilespmem:v12+s12+$0x0] =	vst.idx.msk $0xffff, v15  }
0x1b9: {  	v11 =	vld.idx.msk [tilespmem:v16+s0+$0x0], $0xffff  }
0x1ba: {  	v17 =	vld.idx.msk [tilespmem:v16+s5+$0x0], $0xffff;
	_ =	sdelay $0x4  }
0x1bb: {  	v17 =	vsub.f32 v17, v11;
	v11 =	vsub.f32 $0.0e+00, v11;
	_ =	sdelay $0x1  }
0x1bc: {  	v17 =	vsub.f32 v10, v17;
	v11 =	vmul.f32 $1.442695020e+00, v11;
	_ =	sdelay $0x1  }
0x1bd: {  	v17 =	vmul.f32 $1.442695020e+00, v17;
	(erf) = vpow2.f32 v11;
	_ =	sdelay $0x1  }
0x1be: {  	(erf) = vpow2.f32 v17;
	_ =	sdelay $0x6  }
0x1bf: {  	v9 =	vadd.s32 v9, v14;
	v19 =	vsel vm0, $0x1, v4;
	v18 =	vpop (erf)  }
0x1c0: {  	s13 =	simm.s32 $0x2;
	v13 =	vmul.f32 v15, v13;
	v17 =	vimm.s32 $0x0;
	v22 =	vsub.f32 $1.000000000e+00, v18  }
0x1c1: {  	v20 =	vor.u32 s13, v0;
	v11 =	vimm.f32 $0.0e+00;
	v19 =	vadd.s32 v19, v17;
	v14 =	vpop (erf)  }
0x1c2: {  	s21 =	rddreg [dreg:$0x1a];
	v21 =	vld.idx.msk [tilespmem:v16+s3+$0x0], $0xffff;
	v17 =	vadd.f32 v15, v11;
	v18 =	vadd.f32 v13, v11;
	v23 =	vmul.f32 v14, v22  }
0x1c3: {  	s16 =	sshll.u32 s21, $0x7;
	s21 =	sadd.s32 $0x1, s22;
	s15 =	simm.s32 $0x4;
	v13 =	vimm.f32 $0.0e+00;
	v22 =	vld.idx.msk [tilespmem:v12+s23+$0x0], $0xffff;
	vm0 =	vgt.f32 v14, v7;
	v14 =	vimm.f32 $0.0e+00  }
.LBB2_14:
0x1c4: {  	p0 =	sne.s32 s15, $0x7E;
	v24 =	vld.idx.msk [tilespmem:v12+s10+$0x0], $0xffff;
	v23 =	vnsel vm0, $0x0, v23;
	v25 =	vsel vm0, $0x1, v4  }
0x1c5: {  	v26 =	vld.idx.msk [tilespmem:v12+s11+$0x0], $0xffff;
	[tilespmem:v16+s12+$0x0] =	vst.idx.msk $0xffff, v23;
	v17 =	vadd.f32 v23, v17;
	v19 =	vadd.s32 v25, v19  }
0x1c6: {  	v12 =	vmov v20;
	v25 =	vld.idx.msk [tilespmem:v20+s0+$0x0], $0xffff  }
0x1c7: {  	v27 =	vld.idx.msk [tilespmem:v20+s5+$0x0], $0xffff  }
0x1c8: {  	v21 =	vmul.f32 v23, v21;
	v20 =	vld.idx.msk [tilespmem:v20+s3+$0x0], $0xffff  }
0x1c9: {  	v22 =	vmul.f32 v15, v22;
	v28 =	vld.idx.msk [tilespmem:v16+s23+$0x0], $0xffff  }
0x1ca: {  	v24 =	vmul.f32 v15, v24;
	v18 =	vadd.f32 v21, v18;
	v29 =	vld.idx.msk [tilespmem:v16+s10+$0x0], $0xffff  }
0x1cb: {  	v11 =	vadd.f32 v22, v11;
	v15 =	vmul.f32 v15, v26;
	v16 =	vld.idx.msk [tilespmem:v16+s11+$0x0], $0xffff  }
0x1cc: {  	v14 =	vadd.f32 v24, v14  }
0x1cd: {  	v22 =	vsub.f32 $0.0e+00, v25;
	v21 =	vsub.f32 v27, v25  }
0x1ce: {  	v13 =	vadd.f32 v15, v13  }
0x1cf: {  	v15 =	vsub.f32 v10, v21;
	v21 =	vmul.f32 $1.442695020e+00, v22;
	v22 =	vmul.f32 v23, v28  }
0x1d0: {  	v24 =	vmul.f32 v23, v29  }
0x1d1: {  	v15 =	vmul.f32 $1.442695020e+00, v15;
	v11 =	vadd.f32 v22, v11;
	(erf) = vpow2.f32 v21  }
0x1d2: {  	v16 =	vmul.f32 v23, v16;
	v14 =	vadd.f32 v24, v14  }
0x1d3: {  	(erf) = vpow2.f32 v15  }
0x1d4: {  	v13 =	vadd.f32 v16, v13;
	_ =	sdelay $0x5  }
0x1d5: {  	v15 =	vpop (erf)  }
0x1d6: {  	v15 =	vsub.f32 $1.000000000e+00, v15  }
0x1d7: {  	v16 =	vor.u32 s13, v3;
	s13 =	smov.u32 s15;
	v21 =	vpop (erf)  }
0x1d8: {  	v15 =	vmul.f32 v21, v15  }
0x1d9: {  	vm0 =	vgt.f32 v21, v7  }
0x1da: {  	v21 =	vsel vm0, $0x1, v4;
	v15 =	vnsel vm0, $0x0, v15  }
0x1db: {  	v19 =	vadd.s32 v21, v19;
	[tilespmem:v12+s12+$0x0] =	vst.idx.msk $0xffff, v15;
	v20 =	vmul.f32 v15, v20  }
0x1dc: {  	v17 =	vadd.f32 v15, v17;
	v21 =	vld.idx.msk [tilespmem:v16+s0+$0x0], $0xffff  }
0x1dd: {  	v18 =	vadd.f32 v20, v18;
	v20 =	vld.idx.msk [tilespmem:v16+s5+$0x0], $0xffff;
	_ =	sdelay $0x5  }
0x1de: {  	v20 =	vsub.f32 v20, v21;
	v21 =	vsub.f32 $0.0e+00, v21;
	_ =	sdelay $0x1  }
0x1df: {  	v20 =	vsub.f32 v10, v20;
	v21 =	vmul.f32 $1.442695020e+00, v21;
	_ =	sdelay $0x1  }
0x1e0: {  	v20 =	vmul.f32 $1.442695020e+00, v20;
	(erf) = vpow2.f32 v21;
	_ =	sdelay $0x1  }
0x1e1: {  	(erf) = vpow2.f32 v20;
	_ =	sdelay $0x6  }
.Ltmp11:
0x1e2: {  	v20 =	vpop (erf);
	(pc) =	sbr.rel @p0 .LBB2_14-.Ltmp11, $4  }
0x1e3: {  	v22 =	vsub.f32 $1.000000000e+00, v20  }
0x1e4: {  	v20 =	vor.u32 s15, v0;
	v24 =	vpop (erf)  }
0x1e5: {  	v21 =	vld.idx.msk [tilespmem:v16+s3+$0x0], $0xffff;
	v23 =	vmul.f32 v24, v22  }
0x1e6: {  	s15 =	sadd.s32 $0x2, s15;
	vm0 =	vgt.f32 v24, v7;
	v22 =	vld.idx.msk [tilespmem:v12+s23+$0x0], $0xffff  }
0x1e7: {  	_ =	sdelay $0x3  }
0x1e8: {  	v24 =	vld.idx.msk [tilespmem:v12+s10+$0x0], $0xffff;
	v23 =	vnsel vm0, $0x0, v23  }
0x1e9: {  	v12 =	vld.idx.msk [tilespmem:v12+s11+$0x0], $0xffff;
	[tilespmem:v16+s12+$0x0] =	vst.idx.msk $0xffff, v23  }
0x1ea: {  	v25 =	vld.idx.msk [tilespmem:v20+s0+$0x0], $0xffff  }
0x1eb: {  	v26 =	vld.idx.msk [tilespmem:v20+s5+$0x0], $0xffff;
	_ =	sdelay $0x4  }
0x1ec: {  	v26 =	vsub.f32 v26, v25;
	v25 =	vsub.f32 $0.0e+00, v25;
	_ =	sdelay $0x1  }
0x1ed: {  	v26 =	vsub.f32 v10, v26;
	v25 =	vmul.f32 $1.442695020e+00, v25;
	_ =	sdelay $0x1  }
0x1ee: {  	v26 =	vmul.f32 $1.442695020e+00, v26;
	(erf) = vpow2.f32 v25;
	_ =	sdelay $0x1  }
0x1ef: {  	(erf) = vpow2.f32 v26;
	_ =	sdelay $0x6  }
0x1f0: {  	v25 =	vpop (erf)  }
0x1f1: {  	v25 =	vsub.f32 $1.000000000e+00, v25  }
0x1f2: {  	v27 =	vor.u32 s13, v3;
	v28 =	vpop (erf)  }
0x1f3: {  	v58 =	vld.idx.msk [tilespmem:v20+s3+$0x0], $0xffff;
	v25 =	vmul.f32 v28, v25  }
0x1f4: {  	v29 =	vld.idx.msk [tilespmem:v16+s23+$0x0], $0xffff;
	vm1 =	vgt.f32 v28, v7  }
0x1f5: {  	v30 =	vld.idx.msk [tilespmem:v16+s10+$0x0], $0xffff;
	v25 =	vnsel vm1, $0x0, v25  }
0x1f6: {  	v16 =	vld.idx.msk [tilespmem:v16+s11+$0x0], $0xffff;
	[tilespmem:v20+s12+$0x0] =	vst.idx.msk $0xffff, v25  }
0x1f7: {  	v59 =	vld.idx.msk [tilespmem:v27+s0+$0x0], $0xffff  }
0x1f8: {  	v31 =	vld.idx.msk [tilespmem:v27+s5+$0x0], $0xffff;
	_ =	sdelay $0x4  }
0x1f9: {  	v31 =	vsub.f32 v31, v59  }
0x1fa: {  	v28 =	vsub.f32 $0.0e+00, v59  }
0x1fb: {  	v31 =	vsub.f32 v10, v31  }
0x1fc: {  	v28 =	vmul.f32 $1.442695020e+00, v28  }
0x1fd: {  	v31 =	vmul.f32 $1.442695020e+00, v31  }
0x1fe: {  	(erf) = vpow2.f32 v28  }
0x1ff: {  	(erf) = vpow2.f32 v31;
	_ =	sdelay $0x7  }
0x200: {  	v28 =	vpop (erf)  }
0x201: {  	v31 =	vpop (erf)  }
0x202: {  	(xrf0) =	vmax.scan.msk.f32 $0xffff, v31;
	_ =	sdelay $0x5  }
0x203: {  	v32, _, _ =	vpop (xrf0)  }
0x204: {  	(v2sf) =	vpush v32, $0xF  }
0x205: {  	v21 =	vmul.f32 v23, v21;
	v28 =	vsub.f32 $1.000000000e+00, v28  }
0x206: {  	v33 =	vsel vm0, $0x1, v4;
	v22 =	vmul.f32 v15, v22  }
0x207: {  	v18 =	vadd.f32 v21, v18;
	v21 =	vmul.f32 v15, v24;
	v60 =	vld.idx.msk [tilespmem:v27+s3+$0x0], $0xffff;
	v28 =	vmul.f32 v31, v28  }
0x208: {  	v19 =	vadd.s32 v33, v19;
	v12 =	vmul.f32 v15, v12;
	v34 =	vld.idx.msk [tilespmem:v20+s23+$0x0], $0xffff;
	vm15 =	vgt.f32 v31, v7  }
0x209: {  	v11 =	vadd.f32 v22, v11;
	v14 =	vadd.f32 v21, v14;
	v61 =	vld.idx.msk [tilespmem:v20+s10+$0x0], $0xffff;
	v62 =	vnsel vm15, $0x0, v28  }
0x20a: {  	v15 =	vmul.f32 v23, v29;
	v21 =	vmul.f32 v23, v30;
	v20 =	vld.idx.msk [tilespmem:v20+s11+$0x0], $0xffff;
	[tilespmem:v27+s12+$0x0] =	vst.idx.msk $0xffff, v62  }
0x20b: {  	v12 =	vadd.f32 v12, v13;
	v13 =	vadd.f32 v23, v17;
	v16 =	vmul.f32 v23, v16;
	v22 =	vld.idx.msk [tilespmem:v27+s23+$0x0], $0xffff  }
0x20c: {  	v11 =	vadd.f32 v15, v11;
	v63 =	vsel vm1, $0x1, v4;
	v15 =	vmul.f32 v25, v58;
	v23 =	vld.idx.msk [tilespmem:v27+s10+$0x0], $0xffff  }
0x20d: {  	v14 =	vadd.f32 v21, v14;
	v12 =	vadd.f32 v16, v12;
	v16 =	vadd.s32 v63, v19;
	v21 =	vld.idx.msk [tilespmem:v27+s11+$0x0], $0xffff  }
0x20e: {  	v15 =	vadd.f32 v15, v18;
	v18 =	vmul.f32 v25, v34;
	v19 =	vmul.f32 v25, v61  }
0x20f: {  	v13 =	vadd.f32 v25, v13  }
.Ltmp12:
0x210: {  	s17 =	rddreg [dreg:$0x18];
	v20 =	vmul.f32 v25, v20;
	v11 =	vadd.f32 v18, v11;
	v14 =	vadd.f32 v19, v14;
	(pc) =	sbr.rel .LBB2_16-.Ltmp12, $4  }
0x211: {  	s13 =	sadd.s32 s2, s17;
	v17 =	vadd.f32 v62, v13;
	v13 =	vmul.f32 v62, v60;
	v18 =	vmul.f32 v62, v22  }
0x212: {  	v19 =	vadd.f32 v20, v12;
	[hbm4b:s13+s4] =	stream.linear.scatter [tilespmem:s12], [sflag:$0x3], $0x800, $0x38;
	v12 =	vmul.f32 v62, v23;
	v21 =	vmul.f32 v62, v21;
	[tilespmem:$0x7600] =	vst v63  }
0x213: {  	v20 =	vadd.f32 v13, v15;
	v22 =	vsel vm15, $0x1, v4;
	v13 =	vadd.f32 v18, v11;
	s22 =	spop (v2sf)  }
0x214: {  	s13 =	simm.s32 $0x1;
	v18 =	vadd.s32 v22, v16;
	v12 =	vadd.f32 v12, v14;
	v11 =	vadd.f32 v21, v19;
	p0 =	sgt.f32 s22, s20  }
.LBB2_20:
0x215: {  	s15 =	sshrl.u32 s15, $0x3  }
0x216: {  	s24 =	sadd.s32 $0x1, s24;
	p0 =	por $0x0, $0x0;
	s15 =	sadd.s32 s2, s15  }
0x217: {  	[hbm4b:s15+s4] =	stream.linear.scatter [tilespmem:s9], [sflag:$0x4], $0x800, $0x38;
	[tilespmem:$0x7600] =	vst v63  }
.LBB2_21:
0x218: {  	s13 =	sadd.s32 $0x1, s13  }
0x219: {  	p1 =	sne.s32 s13, $0x4  }
.Ltmp13:
0x21a: {  	_ = 	snop;
	(pc) =	sbr.rel @!p1 .LBB2_22-.Ltmp13, $1  }
0x21b: {  	_ =	sdelay $0x3  }
.LBB2_16:
.Ltmp14:
0x21c: {  	(pc) =	sbr.rel @!p0 .LBB2_20-.Ltmp14, $3  }
0x21d: {  	_ =	sdelay $0x1  }
0x21e: {  	s15 =	sshll.u32 s13, $0x14  }
0x21f: {  	s15 =	sadd.s32 s16, s15  }
0x220: {  	_ =	swait.ge [sflag:s14], $0x800  }
0x221: {  	s15 =	sshrl.u32 s15, $0x3;
	[sflag:s14] =	ssyncset.done $0x0  }
0x222: {  	s22 =	simm.s32 $0x0;
	s17 =	sadd.s32 s1, s15;
	[sflag:s14] =	ssyncadd.s32 $0xFFFFF800  }
0x223: {  	[tilespmem:s0], [sflag:$0x2] =	stream.linear.gather [hbm4b:s17+s22], $0x800, $0x38;
	[tilespmem:$0x7600] =	vst v63  }
0x224: {  	s17 =	sadd.s32 s6, s15  }
0x225: {  	[tilespmem:s5], [sflag:$0x2] =	stream.linear.gather [hbm4b:s17+s22], $0x800, $0x38;
	[tilespmem:$0x7600] =	vst v63  }
0x226: {  	s17 =	sadd.s32 s7, s15  }
0x227: {  	[tilespmem:s3], [sflag:$0x2] =	stream.linear.gather [hbm4b:s17+s22], $0x800, $0x38;
	[tilespmem:$0x7600] =	vst v63  }
0x228: {  	s17 =	sadd.s32 s8, s15  }
0x229: {  	[tilespmem:s23], [sflag:$0x2] =	stream.linear.gather [hbm4b:s17+s22], $0x800, $0x38;
	[tilespmem:$0x7600] =	vst v63  }
0x22a: {  	s17 =	sor.u32 $0x80000, s15  }
0x22b: {  	s17 =	sadd.s32 s8, s17  }
0x22c: {  	[tilespmem:s10], [sflag:$0x2] =	stream.linear.gather [hbm4b:s17+s22], $0x800, $0x38;
	[tilespmem:$0x7600] =	vst v63  }
0x22d: {  	s17 =	sor.u32 $0x100000, s15  }
0x22e: {  	s17 =	sadd.s32 s8, s17  }
0x22f: {  	[tilespmem:s11], [sflag:$0x2] =	stream.linear.gather [hbm4b:s17+s22], $0x800, $0x38;
	[tilespmem:$0x7600] =	vst v63  }
0x230: {  	_ =	swait.ge [sflag:s18], $0x800  }
0x231: {  	[sflag:s18] =	ssyncset.done $0x0  }
0x232: {  	[sflag:s18] =	ssyncadd.s32 $0xFFFFF800  }
0x233: {  	_ =	swait.ge [sflag:s18], $0x800  }
0x234: {  	[sflag:s18] =	ssyncset.done $0x0  }
0x235: {  	[sflag:s18] =	ssyncadd.s32 $0xFFFFF800  }
0x236: {  	_ =	swait.ge [sflag:s18], $0x800  }
0x237: {  	[sflag:s18] =	ssyncset.done $0x0  }
0x238: {  	[sflag:s18] =	ssyncadd.s32 $0xFFFFF800  }
0x239: {  	_ =	swait.ge [sflag:s18], $0x800  }
0x23a: {  	[sflag:s18] =	ssyncset.done $0x0  }
0x23b: {  	[sflag:s18] =	ssyncadd.s32 $0xFFFFF800  }
0x23c: {  	_ =	swait.ge [sflag:s18], $0x800  }
0x23d: {  	v14 =	vor.u32 s22, v0;
	[sflag:s18] =	ssyncset.done $0x0  }
0x23e: {  	[sflag:s18] =	ssyncadd.s32 $0xFFFFF800  }
0x23f: {  	_ =	swait.ge [sflag:s18], $0x800  }
0x240: {  	[sflag:s18] =	ssyncset.done $0x0  }
0x241: {  	[sflag:s18] =	ssyncadd.s32 $0xFFFFF800  }
0x242: {  	v15 =	vld.idx.msk [tilespmem:v14+s0+$0x0], $0xffff  }
0x243: {  	v16 =	vld.idx.msk [tilespmem:v14+s5+$0x0], $0xffff;
	_ =	sdelay $0x4  }
0x244: {  	v16 =	vsub.f32 v16, v15;
	v15 =	vsub.f32 $0.0e+00, v15;
	_ =	sdelay $0x1  }
0x245: {  	v16 =	vsub.f32 v10, v16;
	v15 =	vmul.f32 $1.442695020e+00, v15;
	_ =	sdelay $0x1  }
0x246: {  	v16 =	vmul.f32 $1.442695020e+00, v16;
	(erf) = vpow2.f32 v15;
	_ =	sdelay $0x1  }
0x247: {  	(erf) = vpow2.f32 v16;
	_ =	sdelay $0x6  }
0x248: {  	v15 =	vpop (erf)  }
0x249: {  	v15 =	vsub.f32 $1.000000000e+00, v15  }
0x24a: {  	v16 =	vor.u32 s22, v3;
	v19 =	vpop (erf)  }
0x24b: {  	v15 =	vmul.f32 v19, v15  }
0x24c: {  	vm0 =	vgt.f32 v19, v7  }
0x24d: {  	v15 =	vnsel vm0, $0x0, v15  }
0x24e: {  	v19 =	vld.idx.msk [tilespmem:v14+s3+$0x0], $0xffff;
	[tilespmem:v14+s12+$0x0] =	vst.idx.msk $0xffff, v15  }
0x24f: {  	v21 =	vld.idx.msk [tilespmem:v16+s0+$0x0], $0xffff  }
0x250: {  	v22 =	vld.idx.msk [tilespmem:v16+s5+$0x0], $0xffff;
	_ =	sdelay $0x4  }
0x251: {  	v22 =	vsub.f32 v22, v21;
	v21 =	vsub.f32 $0.0e+00, v21;
	_ =	sdelay $0x1  }
0x252: {  	v22 =	vsub.f32 v10, v22;
	v21 =	vmul.f32 $1.442695020e+00, v21;
	_ =	sdelay $0x1  }
0x253: {  	v22 =	vmul.f32 $1.442695020e+00, v22;
	(erf) = vpow2.f32 v21;
	_ =	sdelay $0x1  }
0x254: {  	(erf) = vpow2.f32 v22;
	_ =	sdelay $0x6  }
0x255: {  	v21 =	vmul.f32 v15, v19;
	v19 =	vpop (erf)  }
0x256: {  	s17 =	simm.s32 $0x2;
	v22 =	vsel vm0, $0x1, v4;
	v23 =	vsub.f32 $1.000000000e+00, v19  }
0x257: {  	v19 =	vadd.s32 v22, v18;
	v18 =	vadd.f32 v21, v20;
	v20 =	vor.u32 s17, v0;
	v24 =	vpop (erf)  }
0x258: {  	v21 =	vld.idx.msk [tilespmem:v16+s3+$0x0], $0xffff;
	v23 =	vmul.f32 v24, v23  }
0x259: {  	s22 =	simm.s32 $0x4;
	v17 =	vadd.f32 v15, v17;
	v22 =	vld.idx.msk [tilespmem:v14+s23+$0x0], $0xffff;
	vm0 =	vgt.f32 v24, v7  }
.LBB2_18:
0x25a: {  	p0 =	sne.s32 s22, $0x7E;
	v24 =	vld.idx.msk [tilespmem:v14+s10+$0x0], $0xffff;
	v23 =	vnsel vm0, $0x0, v23;
	v25 =	vsel vm0, $0x1, v4  }
0x25b: {  	v26 =	vld.idx.msk [tilespmem:v14+s11+$0x0], $0xffff;
	[tilespmem:v16+s12+$0x0] =	vst.idx.msk $0xffff, v23;
	v17 =	vadd.f32 v23, v17;
	v19 =	vadd.s32 v25, v19  }
0x25c: {  	v14 =	vmov v20;
	v25 =	vld.idx.msk [tilespmem:v20+s0+$0x0], $0xffff  }
0x25d: {  	v27 =	vld.idx.msk [tilespmem:v20+s5+$0x0], $0xffff  }
0x25e: {  	v21 =	vmul.f32 v23, v21;
	v20 =	vld.idx.msk [tilespmem:v20+s3+$0x0], $0xffff  }
0x25f: {  	v22 =	vmul.f32 v15, v22;
	v28 =	vld.idx.msk [tilespmem:v16+s23+$0x0], $0xffff  }
0x260: {  	v24 =	vmul.f32 v15, v24;
	v18 =	vadd.f32 v21, v18;
	v29 =	vld.idx.msk [tilespmem:v16+s10+$0x0], $0xffff  }
0x261: {  	v13 =	vadd.f32 v22, v13;
	v15 =	vmul.f32 v15, v26;
	v16 =	vld.idx.msk [tilespmem:v16+s11+$0x0], $0xffff  }
0x262: {  	v12 =	vadd.f32 v24, v12  }
0x263: {  	v22 =	vsub.f32 $0.0e+00, v25;
	v21 =	vsub.f32 v27, v25  }
0x264: {  	v11 =	vadd.f32 v15, v11  }
0x265: {  	v15 =	vsub.f32 v10, v21;
	v21 =	vmul.f32 $1.442695020e+00, v22;
	v22 =	vmul.f32 v23, v28  }
0x266: {  	v24 =	vmul.f32 v23, v29  }
0x267: {  	v15 =	vmul.f32 $1.442695020e+00, v15;
	v13 =	vadd.f32 v22, v13;
	(erf) = vpow2.f32 v21  }
0x268: {  	v16 =	vmul.f32 v23, v16;
	v12 =	vadd.f32 v24, v12  }
0x269: {  	(erf) = vpow2.f32 v15  }
0x26a: {  	v11 =	vadd.f32 v16, v11;
	_ =	sdelay $0x5  }
0x26b: {  	v15 =	vpop (erf)  }
0x26c: {  	v15 =	vsub.f32 $1.000000000e+00, v15  }
0x26d: {  	v16 =	vor.u32 s17, v3;
	s17 =	smov.u32 s22;
	v21 =	vpop (erf)  }
0x26e: {  	v15 =	vmul.f32 v21, v15  }
0x26f: {  	vm0 =	vgt.f32 v21, v7  }
0x270: {  	v21 =	vsel vm0, $0x1, v4;
	v15 =	vnsel vm0, $0x0, v15  }
0x271: {  	v19 =	vadd.s32 v21, v19;
	[tilespmem:v14+s12+$0x0] =	vst.idx.msk $0xffff, v15;
	v20 =	vmul.f32 v15, v20  }
0x272: {  	v17 =	vadd.f32 v15, v17;
	v21 =	vld.idx.msk [tilespmem:v16+s0+$0x0], $0xffff  }
0x273: {  	v18 =	vadd.f32 v20, v18;
	v20 =	vld.idx.msk [tilespmem:v16+s5+$0x0], $0xffff;
	_ =	sdelay $0x5  }
0x274: {  	v20 =	vsub.f32 v20, v21;
	v21 =	vsub.f32 $0.0e+00, v21;
	_ =	sdelay $0x1  }
0x275: {  	v20 =	vsub.f32 v10, v20;
	v21 =	vmul.f32 $1.442695020e+00, v21;
	_ =	sdelay $0x1  }
0x276: {  	v20 =	vmul.f32 $1.442695020e+00, v20;
	(erf) = vpow2.f32 v21;
	_ =	sdelay $0x1  }
0x277: {  	(erf) = vpow2.f32 v20;
	_ =	sdelay $0x6  }
.Ltmp15:
0x278: {  	v20 =	vpop (erf);
	(pc) =	sbr.rel @p0 .LBB2_18-.Ltmp15, $4  }
0x279: {  	v22 =	vsub.f32 $1.000000000e+00, v20  }
0x27a: {  	v20 =	vor.u32 s22, v0;
	v24 =	vpop (erf)  }
0x27b: {  	v21 =	vld.idx.msk [tilespmem:v16+s3+$0x0], $0xffff;
	v23 =	vmul.f32 v24, v22  }
0x27c: {  	s22 =	sadd.s32 $0x2, s22;
	vm0 =	vgt.f32 v24, v7;
	v22 =	vld.idx.msk [tilespmem:v14+s23+$0x0], $0xffff  }
0x27d: {  	_ =	sdelay $0x3  }
0x27e: {  	v24 =	vld.idx.msk [tilespmem:v14+s10+$0x0], $0xffff;
	v23 =	vnsel vm0, $0x0, v23  }
0x27f: {  	v14 =	vld.idx.msk [tilespmem:v14+s11+$0x0], $0xffff;
	[tilespmem:v16+s12+$0x0] =	vst.idx.msk $0xffff, v23  }
0x280: {  	v25 =	vld.idx.msk [tilespmem:v20+s0+$0x0], $0xffff  }
0x281: {  	v26 =	vld.idx.msk [tilespmem:v20+s5+$0x0], $0xffff;
	_ =	sdelay $0x4  }
0x282: {  	v26 =	vsub.f32 v26, v25;
	v25 =	vsub.f32 $0.0e+00, v25;
	_ =	sdelay $0x1  }
0x283: {  	v26 =	vsub.f32 v10, v26;
	v25 =	vmul.f32 $1.442695020e+00, v25;
	_ =	sdelay $0x1  }
0x284: {  	v26 =	vmul.f32 $1.442695020e+00, v26;
	(erf) = vpow2.f32 v25;
	_ =	sdelay $0x1  }
0x285: {  	(erf) = vpow2.f32 v26;
	_ =	sdelay $0x6  }
0x286: {  	v25 =	vpop (erf)  }
0x287: {  	v25 =	vsub.f32 $1.000000000e+00, v25  }
0x288: {  	v27 =	vor.u32 s17, v3;
	v28 =	vpop (erf)  }
0x289: {  	v58 =	vld.idx.msk [tilespmem:v20+s3+$0x0], $0xffff;
	v25 =	vmul.f32 v28, v25  }
0x28a: {  	v29 =	vld.idx.msk [tilespmem:v16+s23+$0x0], $0xffff;
	vm1 =	vgt.f32 v28, v7  }
0x28b: {  	v30 =	vld.idx.msk [tilespmem:v16+s10+$0x0], $0xffff;
	v25 =	vnsel vm1, $0x0, v25  }
0x28c: {  	v16 =	vld.idx.msk [tilespmem:v16+s11+$0x0], $0xffff;
	[tilespmem:v20+s12+$0x0] =	vst.idx.msk $0xffff, v25  }
0x28d: {  	v59 =	vld.idx.msk [tilespmem:v27+s0+$0x0], $0xffff  }
0x28e: {  	v31 =	vld.idx.msk [tilespmem:v27+s5+$0x0], $0xffff;
	_ =	sdelay $0x4  }
0x28f: {  	v31 =	vsub.f32 v31, v59  }
0x290: {  	v28 =	vsub.f32 $0.0e+00, v59  }
0x291: {  	v31 =	vsub.f32 v10, v31  }
0x292: {  	v28 =	vmul.f32 $1.442695020e+00, v28  }
0x293: {  	v31 =	vmul.f32 $1.442695020e+00, v31  }
0x294: {  	(erf) = vpow2.f32 v28  }
0x295: {  	(erf) = vpow2.f32 v31;
	_ =	sdelay $0x7  }
0x296: {  	v28 =	vpop (erf)  }
0x297: {  	v31 =	vpop (erf)  }
0x298: {  	(xrf0) =	vmax.scan.msk.f32 $0xffff, v31;
	_ =	sdelay $0x5  }
0x299: {  	v32, _, _ =	vpop (xrf0)  }
0x29a: {  	(v2sf) =	vpush v32, $0xF  }
0x29b: {  	v21 =	vmul.f32 v23, v21;
	v28 =	vsub.f32 $1.000000000e+00, v28  }
0x29c: {  	v33 =	vsel vm0, $0x1, v4;
	v22 =	vmul.f32 v15, v22  }
0x29d: {  	v18 =	vadd.f32 v21, v18;
	v21 =	vmul.f32 v15, v24;
	v60 =	vld.idx.msk [tilespmem:v27+s3+$0x0], $0xffff;
	v28 =	vmul.f32 v31, v28  }
0x29e: {  	v19 =	vadd.s32 v33, v19;
	v14 =	vmul.f32 v15, v14;
	v34 =	vld.idx.msk [tilespmem:v20+s23+$0x0], $0xffff;
	vm15 =	vgt.f32 v31, v7  }
0x29f: {  	v13 =	vadd.f32 v22, v13;
	v12 =	vadd.f32 v21, v12;
	v61 =	vld.idx.msk [tilespmem:v20+s10+$0x0], $0xffff;
	v62 =	vnsel vm15, $0x0, v28  }
0x2a0: {  	v15 =	vmul.f32 v23, v29;
	v21 =	vmul.f32 v23, v30;
	v20 =	vld.idx.msk [tilespmem:v20+s11+$0x0], $0xffff;
	[tilespmem:v27+s12+$0x0] =	vst.idx.msk $0xffff, v62  }
0x2a1: {  	v11 =	vadd.f32 v14, v11;
	v14 =	vadd.f32 v23, v17;
	v16 =	vmul.f32 v23, v16;
	v22 =	vld.idx.msk [tilespmem:v27+s23+$0x0], $0xffff  }
0x2a2: {  	v13 =	vadd.f32 v15, v13;
	v63 =	vsel vm1, $0x1, v4;
	v15 =	vmul.f32 v25, v58;
	v23 =	vld.idx.msk [tilespmem:v27+s10+$0x0], $0xffff  }
0x2a3: {  	v12 =	vadd.f32 v21, v12;
	v11 =	vadd.f32 v16, v11;
	v16 =	vadd.s32 v63, v19;
	v21 =	vld.idx.msk [tilespmem:v27+s11+$0x0], $0xffff  }
0x2a4: {  	v15 =	vadd.f32 v15, v18;
	v18 =	vmul.f32 v25, v34;
	v19 =	vmul.f32 v25, v61  }
0x2a5: {  	v14 =	vadd.f32 v25, v14  }
.Ltmp16:
0x2a6: {  	v20 =	vmul.f32 v25, v20;
	v13 =	vadd.f32 v18, v13;
	v12 =	vadd.f32 v19, v12;
	(pc) =	sbr.rel .LBB2_21-.Ltmp16, $4  }
0x2a7: {  	s15 =	sadd.s32 s2, s15;
	v17 =	vadd.f32 v62, v14;
	v14 =	vmul.f32 v62, v60;
	v18 =	vmul.f32 v62, v22  }
0x2a8: {  	v11 =	vadd.f32 v20, v11;
	[hbm4b:s15+s4] =	stream.linear.scatter [tilespmem:s12], [sflag:$0x3], $0x800, $0x38;
	v19 =	vmul.f32 v62, v23;
	v21 =	vmul.f32 v62, v21;
	[tilespmem:$0x7600] =	vst v63  }
0x2a9: {  	v20 =	vadd.f32 v14, v15;
	v22 =	vsel vm15, $0x1, v4;
	v13 =	vadd.f32 v18, v13;
	s22 =	spop (v2sf)  }
0x2aa: {  	v18 =	vadd.s32 v22, v16;
	v12 =	vadd.f32 v19, v12;
	v11 =	vadd.f32 v21, v11;
	p0 =	sgt.f32 s22, s20  }
.LBB2_23:
0x2ab: {  	p0 =	slt.s32 s24, $0x1  }
.Ltmp17:
0x2ac: {  	_ = 	snop;
	(pc) =	sbr.rel @p0 .LBB2_27-.Ltmp17, $2  }
0x2ad: {  	_ =	sdelay $0x2  }
0x2ae: {  	[tilespmem:$0x7580] =	vst v9;
	s20 =	rddreg [dreg:$0x15]  }
0x2af: {  	p0 =	sne.s32 s24, $0x1  }
.Ltmp18:
0x2b0: {  	_ = 	snop;
	(pc) =	sbr.rel @!p0 .LBB2_26-.Ltmp18, $3  }
0x2b1: {  	_ =	sdelay $0x1  }
0x2b2: {  	_ =	swait.ge [sflag:s19], $0x800  }
0x2b3: {  	s13 =	sadd.s32 $0xFFFFFFFF, s24;
	[sflag:s19] =	ssyncset.done $0x0  }
.LBB2_25:
0x2b4: {  	p0 =	sne.s32 s13, $0x1;
	s13 =	sadd.s32 $0xFFFFFFFF, s13;
	[sflag:s19] =	ssyncadd.s32 $0xFFFFF800  }
.Ltmp19:
0x2b5: {  	(pc) =	sbr.rel @p0 .LBB2_25-.Ltmp19, $3  }
0x2b6: {  	_ =	sdelay $0x1  }
0x2b7: {  	_ =	swait.ge [sflag:s19], $0x800  }
0x2b8: {  	[sflag:s19] =	ssyncset.done $0x0  }
.Ltmp20:
0x2b9: {  	_ = 	snop;
	(pc) =	sbr.rel .LBB2_26-.Ltmp20, $1  }
0x2ba: {  	_ =	sdelay $0x3  }
.LBB2_28:
0x2bb: {  	_ =	sfence.sel $0x180000  }
0x2bc: {  	[bflag:$0x0] =	sbarrier.arrive $0xFFFF  }
0x2bd: {  	_ =	strace $0x9000004A  }
0x2be: {  	s0 =	stileid.u32;
	[bflag:$0x2] =	sbarrier.arrive $0xFFFF  }
0x2bf: {  	p0 =	sne.s32 s0, $0x0;
	s0 =	rddreg [dreg:$0x6]  }
0x2c0: {  	s0 =	sadd.s32 @!p0 $0x100000, s0  }
0x2c1: {  	[sflag:s0] =	ssyncadd.tile.s32 @!p0 $0x1;
	_ =	shalt  }
.Lfunc_end2:
_tile_overlayer_lowered:
.L_overlay_start_2:
0x2c2: {  	(tag) =	ssettag $0x2  }
0x2c3: {  	s0 =	rddreg [dreg:$0x0];
	s2 =	stileid.u32  }
0x2c4: {  	s1 =	rddreg [dreg:$0x1];
	p0 =	sne.s32 s2, $0x0  }
0x2c5: {  	s3 =	rddreg [dreg:$0x2];
	[bflag:$0x3] =	sbarrier.arrive $0xFFFF;
	s2 =	simm.s32 @!p0 $0x1C06  }
0x2c6: {  	[timem:s3], [sflag:s2] =	dma.local @!p0 [hbm:s0], s1  }
0x2c7: {  	s0 =	simm.s32 @!p0 $0x6  }
0x2c8: {  	_ =	swait.ge @!p0 [sflag:s0], s1  }
0x2c9: {  	s1 =	ssub.s32 @!p0 $0x0, s1;
	[sflag:s0] =	ssyncset.done @!p0 $0x0  }
0x2ca: {  	[sflag:s0] =	ssyncadd.s32 @!p0 s1  }
0x2cb: {  	[bflag:$0x3] =	sbarrier.arrive $0xFFFF  }
0x2cc: {  	_ =	shalt  }

// kernel: sparse-core-data-format-call.cloned.1.call-start
scs
called_computation_lowered:
.L_overlay_start_0:
0x0: {  	s1 =	sld [smem:$0x3FD9]  }
0x1: {  	s2 =	sld [smem:$0x3FFE];
	_ =	sdelay $0x1  }
0x2: {  	s3 =	srdreg.scid  }
0x3: {  	s0 =	sand.u32 $0x1, s3  }
0x4: {  	s17 =	sshll.u32 s0, $0xA;
	s1 =	sadd.s32 s2, s1  }
0x5: {  	s1 =	sadd.s32 s1, s17  }
0x6: {  	[smem:$0x3FC3] =	sst s1  }
0x7: {  	_ = 	snop  }
0x8: {  	(tm) =	ssettm $0x1  }
0x9: {  	s18 =	sld [smem:$0x3FFB];
	_ =	sdelay $0x3  }
0xa: {  	_ =	strace s18  }
0xb: {  	s1 =	sld [smem:$0x3FFC];
	_ =	sdelay $0x3  }
0xc: {  	_ =	strace s1  }
0xd: {  	s1 =	sld [smem:$0x3FFD];
	_ =	sdelay $0x3  }
0xe: {  	_ =	strace s1  }
0xf: {  	_ =	strace $0x8FFFFFFF  }
0x10: {  	s19 =	sld [smem:$0x3FDB];
	_ =	sdelay $0x1  }
0x11: {  	s20 =	simm.s32 $_scs_section_size  }
0x12: {  	s4 =	simm.s32 $_size__tile_overlayer_lowered;
	s5 =	simm.s32 $_tile_overlayer_lowered  }
0x13: {  	s23 =	simm.s32 $0x1BFF;
	s22 =	sshll.u32 s5, $0x1;
	s1 =	sadd.s32 s20, s19  }
0x14: {  	s6 =	simm.s32 $0x0;
	s21 =	sshll.u32 s4, $0x1;
	s4 =	sadd.s32 s22, s1  }
0x15: {  	[timem:s6], [sflag:s23] =	dma.local [hbm:s4], s21  }
0x16: {  	_ =	swait.ge [sflag:s23], s21  }
0x17: {  	s2 =	ssub.s32 $0x0, s21;
	[sflag:s23] =	ssyncset.done $0x0  }
0x18: {  	[sflag:s23] =	ssyncadd.s32 s2;
	_ =	sdelay $0x1  }
0x19: {  	s24 =	simm.s32 $0x1B8B  }
0x1a: {  	_ =	swait.ge [sflag:s24], $0x1  }
0x1b: {  	[sflag:s24] =	ssyncset.done $0x0  }
0x1c: {  	s26 =	simm.s32 $0x1B8E;
	s25 =	sld [smem:$0x3FFE];
	[sflag:s24] =	ssyncadd.s32 $0xFFFFFFFF  }
0x1d: {  	s27 =	simm.s32 $execute0_lowered;
	[smem:$0x3FD2] =	sst s26  }
0x1e: {  	s4 =	sshll.u32 s27, $0x1;
	_ =	strace $0x80000046;
	[dreg:$0x1] =	wrdreg $0xFFFFFFFF  }
0x1f: {  	s28 =	simm.s32 $_size_execute0_lowered;
	s1 =	sadd.s32 s1, s4;
	[dreg:$0x0] =	wrdreg $0x0  }
0x20: {  	s4 =	sshll.u32 s28, $0x1;
	[dreg:$0x2] =	wrdreg s1  }
0x21: {  	[dreg:$0x3] =	wrdreg s4  }
0x22: {  	[dreg:$0x4] =	wrdreg $0xC0  }
0x23: {  	_ =	task [dreg:s6], $0x5FFFF  }
0x24: {  	[dreg:$0x1] =	wrdreg $0xFFFFFFFF  }
0x25: {  	[dreg:$0x0] =	wrdreg $0x60  }
0x26: {  	[dreg:$0x2] =	wrdreg s25  }
0x27: {  	[dreg:$0x3] =	wrdreg $0x9  }
0x28: {  	_ =	task.clear_ibuf [dreg:s6], $0x4FFFF;
	_ =	strace $0x90000046  }
0x29: {  	s29 =	simm.s32 $0x9;
	_ =	strace $0x80000048  }
0x2a: {  	_ =	swait.ge [sflag:s29], $0x1  }
0x2b: {  	[sflag:s29] =	ssyncadd.s32 $0xFFFFFFFF  }
0x2c: {  	_ =	strace $0x90000048  }
0x2d: {  	_ =	sfence  }
0x2e: {  	s30 =	sld [smem:$0x0];
	_ =	sdelay $0x2  }
0x2f: {  	s31 =	sshll.u32 s3, $0xD;
	s3 =	sshrl.u32 s3, $0x2  }
0x30: {  	s2 =	sand.u32 $0x4000, s31;
	s1 =	sadd.s32 s3, s30  }
0x31: {  	s0 =	sor.u32 s2, s0;
	s1 =	sshll.u32 s1, $0x11  }
0x32: {  	s0 =	sor.u32 s1, s0  }
0x33: {  	s0 =	sadd.s32 $0x8F2B, s0  }
0x34: {  	[sflag:s0] =	ssyncadd.remote.s32 $0x1  }
0x35: {  	_ =	sfence.sel $0xFFFF  }
0x36: {  	[dreg:$0x0] =	wrdreg $0xFFFFFFFF;
	(pc) =	sbr.abs _section_cstart, $3  }
0x37: {  	[dreg:$0x1] =	wrdreg $0xFFFFFFFF  }
0x38: {  	_ =	task.clear_ibuf [dreg:s6], $0x2FFFF;
	_ =	strace $0x9FFFFFFF  }
0x39: {  	(tm) =	ssettm $0x7FFFFFFF  }
tec
execute0_lowered:
.L_overlay_start_1:
0x0: {  	(tag) =	ssettag $0x1  }
0x1: {  	s0 =	srdreg.scid  }
0x2: {  	s1 =	sshll.u32 s0, $0x4  }
0x3: {  	s0 =	stileid.u32;
	s1 =	sand.u32 $0x10, s1  }
0x4: {  	s1 =	sor.u32 s0, s1  }
0x5: {  	s4 =	simm.s32 $0x1;
	s7 =	simm.s32 $0x2;
	s2 =	sshll.u32 s1, $0x5  }
0x6: {  	s14 =	simm.s32 $0x0;
	s8 =	simm.s32 $0x1000;
	s1 =	ssub.s32 $0x2000, s2  }
0x7: {  	s9 =	simm.s32 $0x100000;
	s10 =	simm.s32 $0x0;
	s3 =	sand.u32 $0x3E0, s1  }
0x8: {  	s15 =	simm.s32 $0x0;
	s5 =	sshrl.u32 s1, $0xA;
	p0 =	sne.s32 s3, $0x0  }
.Ltmp0:
0x9: {  	s1 =	rddreg [dreg:$0x1];
	s4 =	simm.s32 @!p0 $0x0;
	(pc) =	sbr.rel .LBB1_1-.Ltmp0, $4  }
0xa: {  	s12 =	simm.s32 $0x0;
	s3 =	rddreg [dreg:$0x0];
	s5 =	sadd.s32 s4, s5  }
0xb: {  	_ =	strace $0x80000047;
	s4 =	simm.s32 $0x1;
	s5 =	smul.u32 $0x3, s5  }
0xc: {  	s13 =	simm.s32 $0x0;
	s11 =	smov.u32 s2;
	[sflag:s4] =	ssyncpa.u1 $0x0  }
0xd: {  	s6 =	sadd.s32 $0x180000, s3;
	[sflag:s7] =	ssyncpa.u1 $0x0;
	s7 =	sadd.s32 $0x1, s5  }
.LBB1_7:
0xe: {  	s16 =	sadd.s32 $0x400, s11  }
0xf: {  	s14 =	simm.s32 $0x1;
	p1 =	sgt.s32 s16, $0x1FFF  }
0x10: {  	s14 =	simm.s32 @!p1 $0x0  }
0x11: {  	s18 =	sadd.s32 s14, s12  }
0x12: {  	s16 =	smov.u32 @p1 s2;
	p1 =	sgt.s32 s18, $0x2  }
0x13: {  	s18 =	simm.s32 @p1 $0x0;
	p1 =	sne.s32 s13, s7  }
.Ltmp1:
0x14: {  	p0 =	slt.u32 s13, $0x2;
	(pc) =	sbr.rel @!p1 .LBB1_8-.Ltmp1, $4  }
0x15: {  	s17 =	simm.s32 @!p0 $0x2  }
0x16: {  	s15 =	smov.u32 s12;
	s10 =	sadd.s32 $0x4000, s10;
	_ =	swait.ge @!p0 [sflag:s17], $0x4000  }
0x17: {  	[sflag:s17] =	ssyncset.done @!p0 $0x0;
	s14 =	smov.u32 s11;
	s11 =	smov.u32 s16  }
0x18: {  	[sflag:s17] =	ssyncadd.s32 @!p0 $0xFFFFC000;
	s13 =	sadd.s32 $0x1, s13;
	s12 =	smov.u32 s18  }
.LBB1_1:
0x19: {  	p0 =	sge.u32 s13, s5  }
0x1a: {  	s31 =	sadd.s32 $0xFFFFFFFF, s13;
	s16 =	sxor.u32 @!p0 $0xFFFFFFFF, s13;
	s17 =	sshll.u32 @!p0 s12, $0x13  }
0x1b: {  	s18 =	sshll.u32 @!p0 s11, $0x6;
	s16 =	sshll.u32 @!p0 s16, $0xE;
	s17 =	sadd.s32 @!p0 s3, s17  }
0x1c: {  	s16 =	sand.u32 @!p0 $0x4000, s16;
	s17 =	sadd.s32 @!p0 s18, s17;
	s18 =	simm.s32 @!p0 $0x0  }
0x1d: {  	[tilespmem:s16], [sflag:$0x1] =	stream.linear.gather @!p0 [hbm4b:s17+s18], $0x4000, $0x38;
	[tilespmem:$0x10000] =	vst v63  }
0x1e: {  	p0 =	sge.u32 s31, s5  }
.Ltmp2:
0x1f: {  	_ = 	snop;
	(pc) =	sbr.rel @p0 .LBB1_7-.Ltmp2, $1  }
0x20: {  	_ =	sdelay $0x3  }
0x21: {  	s17 =	sand.u32 $0x4000, s10  }
0x22: {  	_ =	swait.ge [sflag:s4], $0x4000;
	s19 =	sshll.u32 s13, $0xE;
	s16 =	sor.u32 $0x8040, s17  }
0x23: {  	s18 =	sor.u32 $0x40, s17;
	[sflag:s4] =	ssyncset.done $0x0;
	s31 =	sand.u32 $0x4000, s19  }
0x24: {  	s19 =	simm.s32 $0x0;
	[sflag:s4] =	ssyncadd.s32 $0xFFFFC000;
	s17 =	sor.u32 $0x8000, s31  }
.LBB1_3:
0x25: {  	v0 =	vmov s18;
	_ =	sdelay $0x3  }
0x26: {  	s21 =	simm.s32 $0x0  }
0x27: {  	v6 =	vld.idx.msk [tilespmem:v0+s21+$0x30 ss:$0x1], $0xffff  }
0x28: {  	v7 =	vld.idx.msk [tilespmem:v0+s21+$0xFFFFFFC0 ss:$0x1], $0xffff  }
0x29: {  	v5 =	vld.idx.msk [tilespmem:v0+s21+$0xFFFFFFD0 ss:$0x1], $0xffff  }
0x2a: {  	v4 =	vld.idx.msk [tilespmem:v0+s21+$0xFFFFFFE0 ss:$0x1], $0xffff  }
0x2b: {  	v3 =	vld.idx.msk [tilespmem:v0+s21+$0xFFFFFFF0 ss:$0x1], $0xffff  }
0x2c: {  	v1 =	vld.idx.msk [tilespmem:v0+s21+$0x0 ss:$0x1], $0xffff  }
0x2d: {  	v2 =	vld.idx.msk [tilespmem:v0+s21+$0x10 ss:$0x1], $0xffff;
	[tilespmem:s16+$0x30] =	vst v6  }
0x2e: {  	s20 =	simm.s32 $0x80;
	s22 =	simm.s32 $0x400;
	[tilespmem:s16+$0xFFFFFFC0] =	vst v7;
	v6 =	vld.idx.msk [tilespmem:v0+s21+$0x20 ss:$0x1], $0xffff;
	s21 =	smov.u32 s16  }
.LBB1_4:
0x2f: {  	p0 =	sne.s32 s22, $0x600;
	v7 =	vld.idx.msk [tilespmem:v0+s20+$0x30 ss:$0x1], $0xffff;
	[tilespmem:s21+$0xFFFFFFD0] =	vst v5  }
0x30: {  	v8 =	vld.idx.msk [tilespmem:v0+s20+$0xFFFFFFC0 ss:$0x1], $0xffff;
	[tilespmem:s21+$0xFFFFFFE0] =	vst v4  }
0x31: {  	v5 =	vld.idx.msk [tilespmem:v0+s20+$0xFFFFFFD0 ss:$0x1], $0xffff;
	[tilespmem:s21+$0xFFFFFFF0] =	vst v3  }
.Ltmp3:
0x32: {  	v4 =	vld.idx.msk [tilespmem:v0+s20+$0xFFFFFFE0 ss:$0x1], $0xffff;
	[tilespmem:s21+$0x0] =	vst v1;
	(pc) =	sbr.rel @p0 .LBB1_4-.Ltmp3, $4  }
0x33: {  	v3 =	vld.idx.msk [tilespmem:v0+s20+$0xFFFFFFF0 ss:$0x1], $0xffff;
	[tilespmem:s21+$0x10] =	vst v2  }
0x34: {  	v1 =	vld.idx.msk [tilespmem:v0+s20+$0x0 ss:$0x1], $0xffff;
	[tilespmem:s21+$0x20] =	vst v6;
	s21 =	sadd.s32 $0x1000, s21  }
0x35: {  	v2 =	vld.idx.msk [tilespmem:v0+s20+$0x10 ss:$0x1], $0xffff;
	[tilespmem:s21+$0x30] =	vst v7  }
0x36: {  	[tilespmem:s21+$0xFFFFFFC0] =	vst v8;
	v6 =	vld.idx.msk [tilespmem:v0+s20+$0x20 ss:$0x1], $0xffff;
	s20 =	sshra.s32 s22, $0x2;
	s22 =	sadd.s32 $0x200, s22  }
0x37: {  	_ =	sdelay $0x2  }
0x38: {  	[tilespmem:s21+$0xFFFFFFD0] =	vst v5  }
0x39: {  	v56 =	vld.idx.msk [tilespmem:v0+s20+$0x30 ss:$0x1], $0xffff;
	[tilespmem:s21+$0xFFFFFFE0] =	vst v4  }
0x3a: {  	v57 =	vld.idx.msk [tilespmem:v0+s20+$0xFFFFFFC0 ss:$0x1], $0xffff;
	[tilespmem:s21+$0xFFFFFFF0] =	vst v3  }
0x3b: {  	v58 =	vld.idx.msk [tilespmem:v0+s20+$0xFFFFFFD0 ss:$0x1], $0xffff;
	[tilespmem:s21+$0x0] =	vst v1  }
0x3c: {  	v59 =	vld.idx.msk [tilespmem:v0+s20+$0xFFFFFFE0 ss:$0x1], $0xffff;
	[tilespmem:s21+$0x10] =	vst v2  }
0x3d: {  	v60 =	vld.idx.msk [tilespmem:v0+s20+$0xFFFFFFF0 ss:$0x1], $0xffff;
	s31 =	sadd.s32 $0x1000, s21;
	[tilespmem:s21+$0x20] =	vst v6  }
0x3e: {  	v61 =	vld.idx.msk [tilespmem:v0+s20+$0x0 ss:$0x1], $0xffff;
	[tilespmem:s31+$0x30] =	vst v56  }
0x3f: {  	v62 =	vld.idx.msk [tilespmem:v0+s20+$0x10 ss:$0x1], $0xffff;
	s19 =	sadd.s32 $0x1, s19;
	[tilespmem:s31+$0xFFFFFFC0] =	vst v57  }
0x40: {  	v63 =	vld.idx.msk [tilespmem:v0+s20+$0x20 ss:$0x1], $0xffff;
	p0 =	sne.s32 s19, $0x20;
	[tilespmem:s31+$0xFFFFFFD0] =	vst v58  }
.Ltmp4:
0x41: {  	[tilespmem:s31+$0xFFFFFFE0] =	vst v59;
	(pc) =	sbr.rel @p0 .LBB1_3-.Ltmp4, $4  }
0x42: {  	[tilespmem:s31+$0xFFFFFFF0] =	vst v60  }
0x43: {  	[tilespmem:s31+$0x0] =	vst v61  }
0x44: {  	[tilespmem:s31+$0x10] =	vst v62  }
0x45: {  	s16 =	sadd.s32 $0x80, s16;
	s18 =	sadd.s32 $0x200, s18;
	[tilespmem:s31+$0x20] =	vst v63  }
.Ltmp5:
0x46: {  	(pc) =	sbr.rel .LBB1_7-.Ltmp5, $4  }
0x47: {  	s15 =	sshll.u32 s15, $0x13;
	s14 =	sshll.u32 s14, $0x4  }
0x48: {  	s14 =	sand.u32 $0x1FFF0, s14;
	s15 =	sadd.s32 s6, s15  }
0x49: {  	s14 =	sadd.s32 s14, s15  }
0x4a: {  	[hbm4b:s14+s8] =	stream.strided.scatter [tilespmem:s17], [sflag:$0x2], $0x4000, s9, s8, $0x38;
	[tilespmem:$0x10000] =	vst v63  }
.LBB1_8:
0x4b: {  	_ =	sfence.sel $0x180000  }
0x4c: {  	s2 =	simm.s32 $0x1;
	[bflag:$0x0] =	sbarrier.arrive $0xFFFF  }
0x4d: {  	s31 =	simm.s32 $0x2;
	[sflag:s2] =	ssyncpa.u1 $0x1  }
0x4e: {  	[sflag:s31] =	ssyncpa.u1 $0x1  }
0x4f: {  	p0 =	sne.s32 s0, $0x0;
	_ =	strace $0x90000047  }
0x50: {  	s0 =	sadd.s32 @!p0 $0x100000, s1;
	[bflag:$0x2] =	sbarrier.arrive $0xFFFF  }
0x51: {  	[sflag:s0] =	ssyncadd.tile.s32 @!p0 $0x1;
	_ =	shalt  }
.Lfunc_end1:
_tile_overlayer_lowered:
.L_overlay_start_2:
0x52: {  	(tag) =	ssettag $0x2  }
0x53: {  	s0 =	rddreg [dreg:$0x0];
	s2 =	stileid.u32  }
0x54: {  	s1 =	rddreg [dreg:$0x1];
	p0 =	sne.s32 s2, $0x0  }
0x55: {  	s3 =	rddreg [dreg:$0x2];
	[bflag:$0x3] =	sbarrier.arrive $0xFFFF;
	s2 =	simm.s32 @!p0 $0x1C01  }
0x56: {  	[timem:s3], [sflag:s2] =	dma.local @!p0 [hbm:s0], s1  }
0x57: {  	s0 =	simm.s32 @!p0 $0x1  }
0x58: {  	_ =	swait.ge @!p0 [sflag:s0], s1  }
0x59: {  	s1 =	ssub.s32 @!p0 $0x0, s1;
	[sflag:s0] =	ssyncset.done @!p0 $0x0  }
0x5a: {  	[sflag:s0] =	ssyncadd.s32 @!p0 s1  }
0x5b: {  	[bflag:$0x3] =	sbarrier.arrive $0xFFFF  }
0x5c: {  	_ =	shalt  }

</sc_bundles>
